<compile_context>
chip_gen: v7x
topology: tpu7x:2x2x1
jax: 0.10.2.dev20260603
libtpu: 0.0.44.dev20260713+nightly
codegen_flags: <defaults>
</compile_context>

<pallas_src>
import functools

import jax
import jax.numpy as jnp
from jax import lax
from jax.experimental import pallas as pl
from jax.experimental.pallas import tpu as pltpu
from jax.experimental.pallas import tpu_sc as plsc

_NC, _NS = 2, 16
_NW = _NC * _NS
_CH = 128
_TE = 4000
_TN = 2000
_HALF = 26000
_ACC = 26624
_TILE_ROWS = _ACC // _NS
_ZCH = _TILE_ROWS // 2
_TRASH = 26016

_HBLK = _HALF // _TN

_INV_SQRT2 = 0.7071067811865476


def _gelu(h):
    return 0.5 * h * (1.0 + lax.erf(h * _INV_SQRT2))


def _ln(v, gamma, beta):
    mean = jnp.mean(v, axis=-1, keepdims=True)
    var = jnp.mean((v - mean) ** 2, axis=-1, keepdims=True)
    return (v - mean) / jnp.sqrt(var + 1e-5) * gamma + beta


def _dot(a, b):
    return lax.dot_general(a, b, (((1,), (0,)), ((), ())),
                           preferred_element_type=jnp.float32,
                           precision=lax.Precision.HIGHEST)


def _dot_t(a, b):
    return lax.dot_general(a, b, (((0,), (0,)), ((), ())),
                           preferred_element_type=jnp.float32,
                           precision=lax.Precision.HIGHEST)



def _starts_body(batch_ref, out_ref):
    i = pl.program_id(0)

    @pl.when(i == 0)
    def _():
        out_ref[...] = jnp.zeros_like(out_ref)

    b = batch_ref[...]
    lt = (b < lax.broadcasted_iota(jnp.int32, (1, 16), 1)).astype(jnp.int32)
    out_ref[...] += jnp.sum(lt, axis=0, keepdims=True)


def _starts_call(batch2d):
    n = batch2d.shape[0]
    return pl.pallas_call(
        _starts_body,
        grid=(n // _TN,),
        in_specs=[pl.BlockSpec((_TN, 1), lambda i: (i, 0))],
        out_specs=pl.BlockSpec((1, 16), lambda i: (0, 0)),
        out_shape=jax.ShapeDtypeStruct((1, 16), jnp.int32),
    )(batch2d)



def _sc_gather(x, row2d, col2d):
    n_ch = row2d.shape[0]
    e = n_ch * _CH
    q, r = divmod(n_ch, _NW)
    mesh = plsc.VectorSubcoreMesh(core_axis_name="c", subcore_axis_name="s")

    @functools.partial(
        pl.kernel, mesh=mesh,
        out_type=(jax.ShapeDtypeStruct((e, 32), jnp.float32),
                  jax.ShapeDtypeStruct((e, 32), jnp.float32)),
        scratch_types=[
            pltpu.VMEM((1, _CH), jnp.int32),
            pltpu.VMEM((1, _CH), jnp.int32),
            pltpu.VMEM((_CH, 32), jnp.float32),
            pltpu.VMEM((_CH, 32), jnp.float32),
            pltpu.SemaphoreType.DMA,
            pltpu.SemaphoreType.DMA,
        ],
        compiler_params=pltpu.CompilerParams(use_tc_tiling_on_sc=False),
    )
    def gk(x_hbm, row_hbm, col_hbm, xr_out, xc_out,
           idx_r, idx_c, buf_r, buf_c, sem_r, sem_c):
        c = lax.axis_index("c")
        s = lax.axis_index("s")
        w = s * _NC + c
        nch = q + jnp.where(w < r, 1, 0)
        base = w * q + jnp.minimum(w, r)

        def body(i, carry):
            ch = base + i
            pltpu.sync_copy(row_hbm.at[pl.ds(ch, 1)], idx_r)
            pltpu.sync_copy(col_hbm.at[pl.ds(ch, 1)], idx_c)
            cp1 = pltpu.async_copy(x_hbm.at[idx_r.at[0]], buf_r, sem_r)
            cp2 = pltpu.async_copy(x_hbm.at[idx_c.at[0]], buf_c, sem_c)
            cp1.wait()
            cp2.wait()
            pltpu.sync_copy(buf_r, xr_out.at[pl.ds(ch * _CH, _CH)])
            pltpu.sync_copy(buf_c, xc_out.at[pl.ds(ch * _CH, _CH)])
            return carry

        lax.fori_loop(0, nch, body, 0)

    return gk(x, row2d, col2d)



def _edge_body(xr_ref, xc_ref, ea_ref, row_ref, starts_ref, u_ref,
               we_ref, be_ref, ge_ref, bte_ref, wn1_ref, bn1_ref,
               eout_ref, nh_ref):
    xr = xr_ref[...]
    xc = xc_ref[...]
    ea = ea_ref[...]
    row = row_ref[...]
    starts = starts_ref[...]
    ge = (row >= starts).astype(jnp.int32)
    brow = jnp.sum(ge, axis=1, keepdims=True) - 1
    oh = (brow == lax.broadcasted_iota(jnp.int32, (1, 16), 1)).astype(jnp.float32)
    usel = _dot(oh, u_ref[...])
    e_in = jnp.concatenate([xr, xc, ea, usel], axis=1)
    e_h = _gelu(_dot(e_in, we_ref[...]) + be_ref[...])
    e_out = _ln(e_h + ea, ge_ref[...], bte_ref[...])
    n_in = jnp.concatenate([xc, e_out], axis=1)
    n_h = _gelu(_dot(n_in, wn1_ref[...]) + bn1_ref[...])
    eout_ref[...] = e_out
    nh_ref[...] = n_h


def _edge_call(xr, xc, ea, row_col, starts, u, W_edge, b_edge,
               gamma_e, beta_e, W_n1, b_n1):
    e = xr.shape[0]
    blk = lambda i: (i, 0)
    full = lambda i: (0, 0)
    return pl.pallas_call(
        _edge_body,
        grid=(e // _TE,),
        in_specs=[
            pl.BlockSpec((_TE, 32), blk),
            pl.BlockSpec((_TE, 32), blk),
            pl.BlockSpec((_TE, 32), blk),
            pl.BlockSpec((_TE, 1), blk),
            pl.BlockSpec((1, 16), full),
            pl.BlockSpec((16, 32), full),
            pl.BlockSpec((128, 32), full),
            pl.BlockSpec((1, 32), full),
            pl.BlockSpec((1, 32), full),
            pl.BlockSpec((1, 32), full),
            pl.BlockSpec((64, 32), full),
            pl.BlockSpec((1, 32), full),
        ],
        out_specs=[pl.BlockSpec((_TE, 32), blk), pl.BlockSpec((_TE, 32), blk)],
        out_shape=[jax.ShapeDtypeStruct((e, 32), jnp.float32),
                   jax.ShapeDtypeStruct((e, 32), jnp.float32)],
    )(xr, xc, ea, row_col, starts, u, W_edge, b_edge, gamma_e, beta_e, W_n1, b_n1)



def _sc_scatter(nh, row2d):
    n_ch = row2d.shape[0]
    q, r = divmod(n_ch, _NS)
    mesh = plsc.VectorSubcoreMesh(core_axis_name="c", subcore_axis_name="s")
    z2d = jnp.zeros((_ZCH, 32), jnp.float32)
    z1d = jnp.zeros((_ZCH, 1), jnp.float32)
    ones = jnp.ones((_CH, 1), jnp.float32)

    @functools.partial(
        pl.kernel, mesh=mesh,
        out_type=(jax.ShapeDtypeStruct((_NC, _ACC, 32), jnp.float32),
                  jax.ShapeDtypeStruct((_NC, _ACC, 1), jnp.float32)),
        scratch_types=[
            pltpu.VMEM((1, _CH), jnp.int32),
            pltpu.VMEM((1, _CH), jnp.int32),
            pltpu.VMEM((_CH, 32), jnp.float32),
            pltpu.VMEM((_CH, 1), jnp.float32),
            pltpu.VMEM((_ZCH, 32), jnp.float32),
            pltpu.VMEM((_ZCH, 1), jnp.float32),
            pltpu.VMEM_SHARED((_ACC, 32), jnp.float32),
            pltpu.VMEM_SHARED((_ACC, 1), jnp.float32),
        ],
        compiler_params=pltpu.CompilerParams(use_tc_tiling_on_sc=False),
    )
    def sk(nh_hbm, row_hbm, z2d_hbm, z1d_hbm, ones_hbm, psum_out, pcnt_out,
           idx_v, idxt_v, dat_v, ones_v, buf2d, buf1d, acc_sh, cnt_sh):
        c = lax.axis_index("c")
        s = lax.axis_index("s")
        tb = s * _TILE_ROWS
        lo = c * _HALF
        pltpu.sync_copy(z2d_hbm, buf2d)
        pltpu.sync_copy(z1d_hbm, buf1d)
        pltpu.sync_copy(ones_hbm, ones_v)
        for k in range(_TILE_ROWS // _ZCH):
            pltpu.sync_copy(buf2d, acc_sh.at[pl.ds(tb + k * _ZCH, _ZCH)])
            pltpu.sync_copy(buf1d, cnt_sh.at[pl.ds(tb + k * _ZCH, _ZCH)])
        plsc.subcore_barrier()

        nch = q + jnp.where(s < r, 1, 0)
        base = s * q + jnp.minimum(s, r)

        def body(i, carry):
            ch = base + i
            pltpu.sync_copy(row_hbm.at[pl.ds(ch, 1)], idx_v)
            pltpu.sync_copy(nh_hbm.at[pl.ds(ch * _CH, _CH)], dat_v)
            for k in range(_CH // 16):
                t = idx_v[0, pl.ds(k * 16, 16)] - lo
                valid = (t >= 0) & (t < _HALF)
                idxt_v[0, pl.ds(k * 16, 16)] = jnp.where(valid, t, _TRASH)
            pltpu.sync_copy(dat_v, acc_sh.at[idxt_v.at[0]], add=True)
            pltpu.sync_copy(ones_v, cnt_sh.at[idxt_v.at[0]], add=True)
            return carry

        lax.fori_loop(0, nch, body, 0)
        plsc.subcore_barrier()

        for k in range(_TILE_ROWS // _ZCH):
            pltpu.sync_copy(acc_sh.at[pl.ds(tb + k * _ZCH, _ZCH)], buf2d)
            pltpu.sync_copy(buf2d, psum_out.at[c, pl.ds(tb + k * _ZCH, _ZCH)])
            pltpu.sync_copy(cnt_sh.at[pl.ds(tb + k * _ZCH, _ZCH)], buf1d)
            pltpu.sync_copy(buf1d, pcnt_out.at[c, pl.ds(tb + k * _ZCH, _ZCH)])

    return sk(nh, row2d, z2d, z1d, ones)



def _node_body(s_ref, c_ref, x_ref, batch_ref, u_ref,
               wn2_ref, bn2_ref, gn_ref, btn_ref, wg_ref, bg_ref, gg_ref, btg_ref,
               xout_ref, uout_ref, gx_acc, cnt_acc):
    i = pl.program_id(0)
    nsteps = pl.num_programs(0)

    @pl.when(i == 0)
    def _():
        gx_acc[...] = jnp.zeros_like(gx_acc)
        cnt_acc[...] = jnp.zeros_like(cnt_acc)

    ssum = s_ref[0]
    cnt = c_ref[0]
    agg = ssum / jnp.maximum(cnt, 1.0)
    bcol = batch_ref[...]
    oh = (bcol == lax.broadcasted_iota(jnp.int32, (1, 16), 1)).astype(jnp.float32)
    ub = _dot(oh, u_ref[...])
    n2 = _gelu(_dot(jnp.concatenate([agg, ub], axis=1), wn2_ref[...]) + bn2_ref[...])
    xo = _ln(n2 + x_ref[...], gn_ref[...], btn_ref[...])
    xout_ref[...] = xo
    gx_acc[...] += _dot_t(oh, xo)
    cnt_acc[...] += _dot_t(oh, jnp.ones((oh.shape[0], 1), jnp.float32))

    @pl.when(i == nsteps - 1)
    def _():
        uu = u_ref[...]
        gxm = gx_acc[...] / jnp.maximum(cnt_acc[...], 1.0)
        g_h = _gelu(_dot(jnp.concatenate([uu, gxm], axis=1), wg_ref[...]) + bg_ref[...])
        uout_ref[...] = _ln(g_h + uu, gg_ref[...], btg_ref[...])


def _node_call(psum, pcnt, x, batch2d, u, W_n2, b_n2, gamma_n, beta_n,
               W_g, b_g, gamma_g, beta_g):
    n = x.shape[0]
    split = lambda i: (i // _HBLK, i - _HBLK * (i // _HBLK), 0)
    blk = lambda i: (i, 0)
    full = lambda i: (0, 0)
    return pl.pallas_call(
        _node_body,
        grid=(n // _TN,),
        in_specs=[
            pl.BlockSpec((1, _TN, 32), split),
            pl.BlockSpec((1, _TN, 1), split),
            pl.BlockSpec((_TN, 32), blk),
            pl.BlockSpec((_TN, 1), blk),
            pl.BlockSpec((16, 32), full),
            pl.BlockSpec((64, 32), full),
            pl.BlockSpec((1, 32), full),
            pl.BlockSpec((1, 32), full),
            pl.BlockSpec((1, 32), full),
            pl.BlockSpec((64, 32), full),
            pl.BlockSpec((1, 32), full),
            pl.BlockSpec((1, 32), full),
            pl.BlockSpec((1, 32), full),
        ],
        out_specs=[pl.BlockSpec((_TN, 32), blk), pl.BlockSpec((16, 32), full)],
        out_shape=[jax.ShapeDtypeStruct((n, 32), jnp.float32),
                   jax.ShapeDtypeStruct((16, 32), jnp.float32)],
        scratch_shapes=[pltpu.VMEM((16, 32), jnp.float32),
                        pltpu.VMEM((16, 1), jnp.float32)],
    )(psum, pcnt, x, batch2d, u, W_n2, b_n2, gamma_n, beta_n,
      W_g, b_g, gamma_g, beta_g)



def kernel(x, edge_index, edge_attr, u, batch,
           W_edge, b_edge, gamma_e, beta_e,
           W_n1, b_n1, W_n2, b_n2, gamma_n, beta_n,
           W_g, b_g, gamma_g, beta_g):
    n, h = x.shape
    e = edge_attr.shape[0]
    row = edge_index[0]
    col = edge_index[1]
    row2d = row.reshape(e // _CH, _CH)
    col2d = col.reshape(e // _CH, _CH)

    starts = _starts_call(batch.reshape(n, 1))
    xr, xc = _sc_gather(x, row2d, col2d)
    e_out, n_h = _edge_call(
        xr, xc, edge_attr, row.reshape(e, 1), starts, u,
        W_edge, b_edge.reshape(1, h), gamma_e.reshape(1, h),
        beta_e.reshape(1, h), W_n1, b_n1.reshape(1, h))
    psum, pcnt = _sc_scatter(n_h, row2d)
    x_out, u_out = _node_call(
        psum, pcnt, x, batch.reshape(n, 1), u,
        W_n2, b_n2.reshape(1, h), gamma_n.reshape(1, h), beta_n.reshape(1, h),
        W_g, b_g.reshape(1, h), gamma_g.reshape(1, h), beta_g.reshape(1, h))
    return x_out, e_out, u_out

# --- scband reference (transcript-rebuilt; emitter-appended) ---
"""Pipeline reference for scband-my-gnnlayer-26688926777933 (READ-ONLY COPY).

The authoritative reference and input builder live on the scoring server;
editing this copy changes nothing except your own understanding.
"""

import jax, jax.numpy as jnp
import numpy as np

N = 50000
E = 800000
B = 16
H = 32


def _layer_norm(x, gamma, beta, eps=1e-5):
    mean = jnp.mean(x, axis=-1, keepdims=True)
    var = jnp.mean((x - mean) ** 2, axis=-1, keepdims=True)
    return (x - mean) / jnp.sqrt(var + eps) * gamma + beta


def _scatter_mean(data, idx, num_segments):
    s = jax.ops.segment_sum(data, idx, num_segments=num_segments)
    c = jax.ops.segment_sum(jnp.ones((data.shape[0], 1), data.dtype), idx, num_segments=num_segments)
    return s / jnp.clip(c, 1.0, None)


def setup_inputs(seed: int = 0) -> dict:
    key = jax.random.key(seed)
    ks = jax.random.split(key, 16)
    x = jax.random.normal(ks[0], (N, H), dtype=jnp.float32)
    edge_index = jax.random.randint(ks[1], (2, E), 0, N, dtype=jnp.int32)
    edge_attr = jax.random.normal(ks[2], (E, H), dtype=jnp.float32)
    u = jax.random.normal(ks[3], (B, H), dtype=jnp.float32)
    batch = jnp.sort(jax.random.randint(ks[4], (N,), 0, B, dtype=jnp.int32))
    s4 = 1.0 / np.sqrt(4 * H)
    s2 = 1.0 / np.sqrt(2 * H)
    W_edge = jax.random.uniform(ks[5], (4 * H, H), jnp.float32, -s4, s4)
    b_edge = jax.random.uniform(ks[6], (H,), jnp.float32, -s4, s4)
    W_n1 = jax.random.uniform(ks[7], (2 * H, H), jnp.float32, -s2, s2)
    b_n1 = jax.random.uniform(ks[8], (H,), jnp.float32, -s2, s2)
    W_n2 = jax.random.uniform(ks[9], (2 * H, H), jnp.float32, -s2, s2)
    b_n2 = jax.random.uniform(ks[10], (H,), jnp.float32, -s2, s2)
    W_g = jax.random.uniform(ks[11], (2 * H, H), jnp.float32, -s2, s2)
    b_g = jax.random.uniform(ks[12], (H,), jnp.float32, -s2, s2)
    gamma_e = jnp.ones((H,), jnp.float32); beta_e = jnp.zeros((H,), jnp.float32)
    gamma_n = jnp.ones((H,), jnp.float32); beta_n = jnp.zeros((H,), jnp.float32)
    gamma_g = jnp.ones((H,), jnp.float32); beta_g = jnp.zeros((H,), jnp.float32)
    return {"x": x, "edge_index": edge_index, "edge_attr": edge_attr, "u": u, "batch": batch,
            "W_edge": W_edge, "b_edge": b_edge, "gamma_e": gamma_e, "beta_e": beta_e,
            "W_n1": W_n1, "b_n1": b_n1, "W_n2": W_n2, "b_n2": b_n2, "gamma_n": gamma_n, "beta_n": beta_n,
            "W_g": W_g, "b_g": b_g, "gamma_g": gamma_g, "beta_g": beta_g}


def reference(x, edge_index, edge_attr, u, batch,
              W_edge, b_edge, gamma_e, beta_e,
              W_n1, b_n1, W_n2, b_n2, gamma_n, beta_n,
              W_g, b_g, gamma_g, beta_g):
    row = edge_index[0]
    col = edge_index[1]
    # edge model (dropout inactive in eval mode)
    e_in = jnp.concatenate([x[row], x[col], edge_attr, u[batch[row]]], axis=1)
    e_h = jax.nn.gelu(e_in @ W_edge + b_edge, approximate=False)
    e_out = _layer_norm(e_h + edge_attr, gamma_e, beta_e)
    # node model
    n_in = jnp.concatenate([x[col], e_out], axis=1)
    n_h = jax.nn.gelu(n_in @ W_n1 + b_n1, approximate=False)
    agg = _scatter_mean(n_h, row, N)
    n2_in = jnp.concatenate([agg, u[batch]], axis=1)
    n2_h = jax.nn.gelu(n2_in @ W_n2 + b_n2, approximate=False)
    x_out = _layer_norm(n2_h + x, gamma_n, beta_n)
    # global model
    gx = _scatter_mean(x_out, batch, B)
    g_in = jnp.concatenate([u, gx], axis=1)
    g_h = jax.nn.gelu(g_in @ W_g + b_g, approximate=False)
    u_out = _layer_norm(g_h + u, gamma_g, beta_g)
    return x_out, e_out, u_out

if __name__ == "__main__":
    import jax
    _d = setup_inputs()
    print(jax.jit(kernel)(*tuple(_d.values())))

</pallas_src>

<mosaic_0001>
#map = affine_map<(d0, d1) -> (0, 0)>
module attributes {stable_mosaic.version = 14 : i64} {
  func.func @gk(%arg0: i32, %arg1: i32, %arg2: memref<50000x32xf32, #tpu.memory_space<hbm>>, %arg3: memref<6250x128xi32, #tpu.memory_space<hbm>>, %arg4: memref<6250x128xi32, #tpu.memory_space<hbm>>, %arg5: memref<800000x32xf32, #tpu.memory_space<hbm>>, %arg6: memref<800000x32xf32, #tpu.memory_space<hbm>>, %arg7: memref<1x128xi32, #tpu.memory_space<vmem>>, %arg8: memref<1x128xi32, #tpu.memory_space<vmem>>, %arg9: memref<128x32xf32, #tpu.memory_space<vmem>>, %arg10: memref<128x32xf32, #tpu.memory_space<vmem>>, %arg11: memref<!tpu.dma_semaphore, #tpu.memory_space<semaphore_mem>>, %arg12: memref<!tpu.dma_semaphore, #tpu.memory_space<semaphore_mem>>) attributes {dimension_semantics = [#tpu.dimension_semantics<core_parallel>, #tpu.dimension_semantics<subcore_parallel>], iteration_bounds = array<i64: 2, 16>, scalar_prefetch = 0 : i64, scratch_operands = 6 : i64, tpu.core_type = #tpu.core_type<sc_vector_subcore>, window_params = [{transform_indices = #map}, {transform_indices = #map}, {transform_indices = #map}, {transform_indices = #map}, {transform_indices = #map}]} {
    %mul3A = arith.constant 2 : i32
    %mul3A_0 = arith.muli %arg1, %mul3A : i32
    %add3A = arith.addi %mul3A_0, %arg0 : i32
    %lt3A = arith.constant 10 : i32
    %lt3A_1 = arith.cmpi slt, %add3A, %lt3A : i32
    %jit3A = arith.constant 1 : i32
    %jit3A_2 = arith.constant 0 : i32
    %select_n3A = arith.select %lt3A_1, %jit3A, %jit3A_2 : i32
    %add3A_3 = arith.constant 195 : i32
    %add3A_4 = arith.addi %add3A_3, %select_n3A : i32
    %mul3A_5 = arith.constant 195 : i32
    %mul3A_6 = arith.muli %add3A, %mul3A_5 : i32
    %min3A = arith.constant 10 : i32
    %min3A_7 = arith.minsi %add3A, %min3A : i32
    %add3A_8 = arith.addi %mul3A_6, %min3A_7 : i32
    %while3A = arith.constant 0 : i32
    %while3A_9 = arith.constant 0 : i32
    %while3A_10 = arith.subi %add3A_4, %while3A_9 : i32
    %while3A_11 = arith.addi %while3A_9, %while3A_10 : i32
    %while3A_12 = arith.constant 1 : i32
    %while3A_13 = arith.divsi %while3A_10, %while3A_12 : i32
    %while3A_14 = arith.muli %while3A_13, %while3A_12 : i32
    %while3A_15 = arith.addi %while3A_9, %while3A_14 : i32
    %while3A_16 = arith.constant 1 : i32
    scf.for %while3A_18 = %while3A_9 to %while3A_15 step %while3A_16  : i32 {
      %add3A_19 = arith.addi %add3A_8, %while3A_18 : i32
      "tpu.region"() ({
        %run_scoped3A = tpu.sem_alloc : memref<!tpu.dma_semaphore, #tpu.memory_space<semaphore_mem>>
        %dma_start3A_50 = arith.constant 0 : i32
        %dma_start3A_51 = tpu.memref_slice %arg3[%add3A_19, %dma_start3A_50] : memref<6250x128xi32, #tpu.memory_space<hbm>> -> memref<1x128xi32, #tpu.memory_space<hbm>>
        %dma_start3A_52 = arith.constant 0 : i32
        %dma_start3A_53 = tpu.memref_slice %arg3[%add3A_19, %dma_start3A_52] : memref<6250x128xi32, #tpu.memory_space<hbm>> -> memref<1x128xi32, #tpu.memory_space<hbm>>
        tpu.enqueue_dma source(%dma_start3A_53 : memref<1x128xi32, #tpu.memory_space<hbm>>) target(%arg7 : memref<1x128xi32, #tpu.memory_space<vmem>>) target_semaphore(%run_scoped3A : memref<!tpu.dma_semaphore, #tpu.memory_space<semaphore_mem>>)
        %dma_wait3A_54 = arith.constant 0 : i32
        %dma_wait3A_55 = tpu.memref_slice %arg3[%add3A_19, %dma_wait3A_54] : memref<6250x128xi32, #tpu.memory_space<hbm>> -> memref<1x128xi32, #tpu.memory_space<hbm>>
        %dma_wait3A_56 = arith.constant 0 : i32
        %dma_wait3A_57 = tpu.memref_slice %arg3[%add3A_19, %dma_wait3A_56] : memref<6250x128xi32, #tpu.memory_space<hbm>> -> memref<1x128xi32, #tpu.memory_space<hbm>>
        tpu.wait_dma2 semaphore(%run_scoped3A : memref<!tpu.dma_semaphore, #tpu.memory_space<semaphore_mem>>) src(%dma_wait3A_57 : memref<1x128xi32, #tpu.memory_space<hbm>>) dst(%arg7 : memref<1x128xi32, #tpu.memory_space<vmem>>)
        tpu.yield
      }) : () -> ()
      "tpu.region"() ({
        %run_scoped3A = tpu.sem_alloc : memref<!tpu.dma_semaphore, #tpu.memory_space<semaphore_mem>>
        %dma_start3A_50 = arith.constant 0 : i32
        %dma_start3A_51 = tpu.memref_slice %arg4[%add3A_19, %dma_start3A_50] : memref<6250x128xi32, #tpu.memory_space<hbm>> -> memref<1x128xi32, #tpu.memory_space<hbm>>
        %dma_start3A_52 = arith.constant 0 : i32
        %dma_start3A_53 = tpu.memref_slice %arg4[%add3A_19, %dma_start3A_52] : memref<6250x128xi32, #tpu.memory_space<hbm>> -> memref<1x128xi32, #tpu.memory_space<hbm>>
        tpu.enqueue_dma source(%dma_start3A_53 : memref<1x128xi32, #tpu.memory_space<hbm>>) target(%arg8 : memref<1x128xi32, #tpu.memory_space<vmem>>) target_semaphore(%run_scoped3A : memref<!tpu.dma_semaphore, #tpu.memory_space<semaphore_mem>>)
        %dma_wait3A_54 = arith.constant 0 : i32
        %dma_wait3A_55 = tpu.memref_slice %arg4[%add3A_19, %dma_wait3A_54] : memref<6250x128xi32, #tpu.memory_space<hbm>> -> memref<1x128xi32, #tpu.memory_space<hbm>>
        %dma_wait3A_56 = arith.constant 0 : i32
        %dma_wait3A_57 = tpu.memref_slice %arg4[%add3A_19, %dma_wait3A_56] : memref<6250x128xi32, #tpu.memory_space<hbm>> -> memref<1x128xi32, #tpu.memory_space<hbm>>
        tpu.wait_dma2 semaphore(%run_scoped3A : memref<!tpu.dma_semaphore, #tpu.memory_space<semaphore_mem>>) src(%dma_wait3A_57 : memref<1x128xi32, #tpu.memory_space<hbm>>) dst(%arg8 : memref<1x128xi32, #tpu.memory_space<vmem>>)
        tpu.yield
      }) : () -> ()
      %dma_start3A = arith.constant 0 : i32
      %dma_start3A_20 = arith.constant 0 : i32
      %dma_start3A_21 = tpu.memref_slice %arg7[%dma_start3A, %dma_start3A_20] : memref<1x128xi32, #tpu.memory_space<vmem>> -> memref<1x128xi32, #tpu.memory_space<vmem>>
      %dma_start3A_22 = tpu.memref_squeeze %dma_start3A_21 : memref<1x128xi32, #tpu.memory_space<vmem>> -> memref<128xi32, #tpu.memory_space<vmem>>
      %dma_start3A_23 = arith.constant 0 : i32
      %dma_start3A_24 = arith.constant 0 : i32
      %dma_start3A_25 = tpu.memref_slice %arg2[%dma_start3A_23, %dma_start3A_24] : memref<50000x32xf32, #tpu.memory_space<hbm>> -> memref<50000x32xf32, #tpu.memory_space<hbm>>
      tpu.enqueue_indirect_dma source(%dma_start3A_25 : memref<50000x32xf32, #tpu.memory_space<hbm>>) target(%arg9 : memref<128x32xf32, #tpu.memory_space<vmem>>) offsets(%dma_start3A_22 : memref<128xi32, #tpu.memory_space<vmem>>) semaphore(%arg11 : memref<!tpu.dma_semaphore, #tpu.memory_space<semaphore_mem>>)
      %dma_start3A_26 = arith.constant 0 : i32
      %dma_start3A_27 = arith.constant 0 : i32
      %dma_start3A_28 = tpu.memref_slice %arg8[%dma_start3A_26, %dma_start3A_27] : memref<1x128xi32, #tpu.memory_space<vmem>> -> memref<1x128xi32, #tpu.memory_space<vmem>>
      %dma_start3A_29 = tpu.memref_squeeze %dma_start3A_28 : memref<1x128xi32, #tpu.memory_space<vmem>> -> memref<128xi32, #tpu.memory_space<vmem>>
      %dma_start3A_30 = arith.constant 0 : i32
      %dma_start3A_31 = arith.constant 0 : i32
      %dma_start3A_32 = tpu.memref_slice %arg2[%dma_start3A_30, %dma_start3A_31] : memref<50000x32xf32, #tpu.memory_space<hbm>> -> memref<50000x32xf32, #tpu.memory_space<hbm>>
      tpu.enqueue_indirect_dma source(%dma_start3A_32 : memref<50000x32xf32, #tpu.memory_space<hbm>>) target(%arg10 : memref<128x32xf32, #tpu.memory_space<vmem>>) offsets(%dma_start3A_29 : memref<128xi32, #tpu.memory_space<vmem>>) semaphore(%arg12 : memref<!tpu.dma_semaphore, #tpu.memory_space<semaphore_mem>>)
      %dma_wait3A = arith.constant 0 : i32
      %dma_wait3A_33 = arith.constant 0 : i32
      %dma_wait3A_34 = tpu.memref_slice %arg7[%dma_wait3A, %dma_wait3A_33] : memref<1x128xi32, #tpu.memory_space<vmem>> -> memref<1x128xi32, #tpu.memory_space<vmem>>
      %dma_wait3A_35 = tpu.memref_squeeze %dma_wait3A_34 : memref<1x128xi32, #tpu.memory_space<vmem>> -> memref<128xi32, #tpu.memory_space<vmem>>
      %dma_wait3A_36 = arith.constant 0 : i32
      %dma_wait3A_37 = arith.constant 0 : i32
      %dma_wait3A_38 = tpu.memref_slice %arg2[%dma_wait3A_36, %dma_wait3A_37] : memref<50000x32xf32, #tpu.memory_space<hbm>> -> memref<50000x32xf32, #tpu.memory_space<hbm>>
      tpu.wait_indirect_dma semaphore(%arg11 : memref<!tpu.dma_semaphore, #tpu.memory_space<semaphore_mem>>) src(%dma_wait3A_38 : memref<50000x32xf32, #tpu.memory_space<hbm>>) dst(%arg9 : memref<128x32xf32, #tpu.memory_space<vmem>>)
      %dma_wait3A_39 = arith.constant 0 : i32
      %dma_wait3A_40 = arith.constant 0 : i32
      %dma_wait3A_41 = tpu.memref_slice %arg8[%dma_wait3A_39, %dma_wait3A_40] : memref<1x128xi32, #tpu.memory_space<vmem>> -> memref<1x128xi32, #tpu.memory_space<vmem>>
      %dma_wait3A_42 = tpu.memref_squeeze %dma_wait3A_41 : memref<1x128xi32, #tpu.memory_space<vmem>> -> memref<128xi32, #tpu.memory_space<vmem>>
      %dma_wait3A_43 = arith.constant 0 : i32
      %dma_wait3A_44 = arith.constant 0 : i32
      %dma_wait3A_45 = tpu.memref_slice %arg2[%dma_wait3A_43, %dma_wait3A_44] : memref<50000x32xf32, #tpu.memory_space<hbm>> -> memref<50000x32xf32, #tpu.memory_space<hbm>>
      tpu.wait_indirect_dma semaphore(%arg12 : memref<!tpu.dma_semaphore, #tpu.memory_space<semaphore_mem>>) src(%dma_wait3A_45 : memref<50000x32xf32, #tpu.memory_space<hbm>>) dst(%arg10 : memref<128x32xf32, #tpu.memory_space<vmem>>)
      %mul3A_46 = arith.constant 128 : i32
      %mul3A_47 = arith.muli %add3A_19, %mul3A_46 : i32
      "tpu.region"() ({
        %run_scoped3A = tpu.sem_alloc : memref<!tpu.dma_semaphore, #tpu.memory_space<semaphore_mem>>
        %dma_start3A_50 = arith.constant 0 : i32
        %dma_start3A_51 = tpu.memref_slice %arg5[%mul3A_47, %dma_start3A_50] : memref<800000x32xf32, #tpu.memory_space<hbm>> -> memref<128x32xf32, #tpu.memory_space<hbm>>
        %dma_start3A_52 = arith.constant 0 : i32
        %dma_start3A_53 = tpu.memref_slice %arg5[%mul3A_47, %dma_start3A_52] : memref<800000x32xf32, #tpu.memory_space<hbm>> -> memref<128x32xf32, #tpu.memory_space<hbm>>
        tpu.enqueue_dma source(%arg9 : memref<128x32xf32, #tpu.memory_space<vmem>>) target(%dma_start3A_53 : memref<128x32xf32, #tpu.memory_space<hbm>>) target_semaphore(%run_scoped3A : memref<!tpu.dma_semaphore, #tpu.memory_space<semaphore_mem>>)
        %dma_wait3A_54 = arith.constant 0 : i32
        %dma_wait3A_55 = tpu.memref_slice %arg5[%mul3A_47, %dma_wait3A_54] : memref<800000x32xf32, #tpu.memory_space<hbm>> -> memref<128x32xf32, #tpu.memory_space<hbm>>
        %dma_wait3A_56 = arith.constant 0 : i32
        %dma_wait3A_57 = tpu.memref_slice %arg5[%mul3A_47, %dma_wait3A_56] : memref<800000x32xf32, #tpu.memory_space<hbm>> -> memref<128x32xf32, #tpu.memory_space<hbm>>
        tpu.wait_dma2 semaphore(%run_scoped3A : memref<!tpu.dma_semaphore, #tpu.memory_space<semaphore_mem>>) src(%arg9 : memref<128x32xf32, #tpu.memory_space<vmem>>) dst(%dma_wait3A_57 : memref<128x32xf32, #tpu.memory_space<hbm>>)
        tpu.yield
      }) : () -> ()
      %mul3A_48 = arith.constant 128 : i32
      %mul3A_49 = arith.muli %add3A_19, %mul3A_48 : i32
      "tpu.region"() ({
        %run_scoped3A = tpu.sem_alloc : memref<!tpu.dma_semaphore, #tpu.memory_space<semaphore_mem>>
        %dma_start3A_50 = arith.constant 0 : i32
        %dma_start3A_51 = tpu.memref_slice %arg6[%mul3A_49, %dma_start3A_50] : memref<800000x32xf32, #tpu.memory_space<hbm>> -> memref<128x32xf32, #tpu.memory_space<hbm>>
        %dma_start3A_52 = arith.constant 0 : i32
        %dma_start3A_53 = tpu.memref_slice %arg6[%mul3A_49, %dma_start3A_52] : memref<800000x32xf32, #tpu.memory_space<hbm>> -> memref<128x32xf32, #tpu.memory_space<hbm>>
        tpu.enqueue_dma source(%arg10 : memref<128x32xf32, #tpu.memory_space<vmem>>) target(%dma_start3A_53 : memref<128x32xf32, #tpu.memory_space<hbm>>) target_semaphore(%run_scoped3A : memref<!tpu.dma_semaphore, #tpu.memory_space<semaphore_mem>>)
        %dma_wait3A_54 = arith.constant 0 : i32
        %dma_wait3A_55 = tpu.memref_slice %arg6[%mul3A_49, %dma_wait3A_54] : memref<800000x32xf32, #tpu.memory_space<hbm>> -> memref<128x32xf32, #tpu.memory_space<hbm>>
        %dma_wait3A_56 = arith.constant 0 : i32
        %dma_wait3A_57 = tpu.memref_slice %arg6[%mul3A_49, %dma_wait3A_56] : memref<800000x32xf32, #tpu.memory_space<hbm>> -> memref<128x32xf32, #tpu.memory_space<hbm>>
        tpu.wait_dma2 semaphore(%run_scoped3A : memref<!tpu.dma_semaphore, #tpu.memory_space<semaphore_mem>>) src(%arg10 : memref<128x32xf32, #tpu.memory_space<vmem>>) dst(%dma_wait3A_57 : memref<128x32xf32, #tpu.memory_space<hbm>>)
        tpu.yield
      }) : () -> ()
    }
    %while3A_17 = arith.constant 1 : i32
    scf.for %while3A_18 = %while3A_15 to %while3A_11 step %while3A_17  : i32 {
      %add3A_19 = arith.addi %add3A_8, %while3A_18 : i32
      "tpu.region"() ({
        %run_scoped3A = tpu.sem_alloc : memref<!tpu.dma_semaphore, #tpu.memory_space<semaphore_mem>>
        %dma_start3A_50 = arith.constant 0 : i32
        %dma_start3A_51 = tpu.memref_slice %arg3[%add3A_19, %dma_start3A_50] : memref<6250x128xi32, #tpu.memory_space<hbm>> -> memref<1x128xi32, #tpu.memory_space<hbm>>
        %dma_start3A_52 = arith.constant 0 : i32
        %dma_start3A_53 = tpu.memref_slice %arg3[%add3A_19, %dma_start3A_52] : memref<6250x128xi32, #tpu.memory_space<hbm>> -> memref<1x128xi32, #tpu.memory_space<hbm>>
        tpu.enqueue_dma source(%dma_start3A_53 : memref<1x128xi32, #tpu.memory_space<hbm>>) target(%arg7 : memref<1x128xi32, #tpu.memory_space<vmem>>) target_semaphore(%run_scoped3A : memref<!tpu.dma_semaphore, #tpu.memory_space<semaphore_mem>>)
        %dma_wait3A_54 = arith.constant 0 : i32
        %dma_wait3A_55 = tpu.memref_slice %arg3[%add3A_19, %dma_wait3A_54] : memref<6250x128xi32, #tpu.memory_space<hbm>> -> memref<1x128xi32, #tpu.memory_space<hbm>>
        %dma_wait3A_56 = arith.constant 0 : i32
        %dma_wait3A_57 = tpu.memref_slice %arg3[%add3A_19, %dma_wait3A_56] : memref<6250x128xi32, #tpu.memory_space<hbm>> -> memref<1x128xi32, #tpu.memory_space<hbm>>
        tpu.wait_dma2 semaphore(%run_scoped3A : memref<!tpu.dma_semaphore, #tpu.memory_space<semaphore_mem>>) src(%dma_wait3A_57 : memref<1x128xi32, #tpu.memory_space<hbm>>) dst(%arg7 : memref<1x128xi32, #tpu.memory_space<vmem>>)
        tpu.yield
      }) : () -> ()
      "tpu.region"() ({
        %run_scoped3A = tpu.sem_alloc : memref<!tpu.dma_semaphore, #tpu.memory_space<semaphore_mem>>
        %dma_start3A_50 = arith.constant 0 : i32
        %dma_start3A_51 = tpu.memref_slice %arg4[%add3A_19, %dma_start3A_50] : memref<6250x128xi32, #tpu.memory_space<hbm>> -> memref<1x128xi32, #tpu.memory_space<hbm>>
        %dma_start3A_52 = arith.constant 0 : i32
        %dma_start3A_53 = tpu.memref_slice %arg4[%add3A_19, %dma_start3A_52] : memref<6250x128xi32, #tpu.memory_space<hbm>> -> memref<1x128xi32, #tpu.memory_space<hbm>>
        tpu.enqueue_dma source(%dma_start3A_53 : memref<1x128xi32, #tpu.memory_space<hbm>>) target(%arg8 : memref<1x128xi32, #tpu.memory_space<vmem>>) target_semaphore(%run_scoped3A : memref<!tpu.dma_semaphore, #tpu.memory_space<semaphore_mem>>)
        %dma_wait3A_54 = arith.constant 0 : i32
        %dma_wait3A_55 = tpu.memref_slice %arg4[%add3A_19, %dma_wait3A_54] : memref<6250x128xi32, #tpu.memory_space<hbm>> -> memref<1x128xi32, #tpu.memory_space<hbm>>
        %dma_wait3A_56 = arith.constant 0 : i32
        %dma_wait3A_57 = tpu.memref_slice %arg4[%add3A_19, %dma_wait3A_56] : memref<6250x128xi32, #tpu.memory_space<hbm>> -> memref<1x128xi32, #tpu.memory_space<hbm>>
        tpu.wait_dma2 semaphore(%run_scoped3A : memref<!tpu.dma_semaphore, #tpu.memory_space<semaphore_mem>>) src(%dma_wait3A_57 : memref<1x128xi32, #tpu.memory_space<hbm>>) dst(%arg8 : memref<1x128xi32, #tpu.memory_space<vmem>>)
        tpu.yield
      }) : () -> ()
      %dma_start3A = arith.constant 0 : i32
      %dma_start3A_20 = arith.constant 0 : i32
      %dma_start3A_21 = tpu.memref_slice %arg7[%dma_start3A, %dma_start3A_20] : memref<1x128xi32, #tpu.memory_space<vmem>> -> memref<1x128xi32, #tpu.memory_space<vmem>>
      %dma_start3A_22 = tpu.memref_squeeze %dma_start3A_21 : memref<1x128xi32, #tpu.memory_space<vmem>> -> memref<128xi32, #tpu.memory_space<vmem>>
      %dma_start3A_23 = arith.constant 0 : i32
      %dma_start3A_24 = arith.constant 0 : i32
      %dma_start3A_25 = tpu.memref_slice %arg2[%dma_start3A_23, %dma_start3A_24] : memref<50000x32xf32, #tpu.memory_space<hbm>> -> memref<50000x32xf32, #tpu.memory_space<hbm>>
      tpu.enqueue_indirect_dma source(%dma_start3A_25 : memref<50000x32xf32, #tpu.memory_space<hbm>>) target(%arg9 : memref<128x32xf32, #tpu.memory_space<vmem>>) offsets(%dma_start3A_22 : memref<128xi32, #tpu.memory_space<vmem>>) semaphore(%arg11 : memref<!tpu.dma_semaphore, #tpu.memory_space<semaphore_mem>>)
      %dma_start3A_26 = arith.constant 0 : i32
      %dma_start3A_27 = arith.constant 0 : i32
      %dma_start3A_28 = tpu.memref_slice %arg8[%dma_start3A_26, %dma_start3A_27] : memref<1x128xi32, #tpu.memory_space<vmem>> -> memref<1x128xi32, #tpu.memory_space<vmem>>
      %dma_start3A_29 = tpu.memref_squeeze %dma_start3A_28 : memref<1x128xi32, #tpu.memory_space<vmem>> -> memref<128xi32, #tpu.memory_space<vmem>>
      %dma_start3A_30 = arith.constant 0 : i32
      %dma_start3A_31 = arith.constant 0 : i32
      %dma_start3A_32 = tpu.memref_slice %arg2[%dma_start3A_30, %dma_start3A_31] : memref<50000x32xf32, #tpu.memory_space<hbm>> -> memref<50000x32xf32, #tpu.memory_space<hbm>>
      tpu.enqueue_indirect_dma source(%dma_start3A_32 : memref<50000x32xf32, #tpu.memory_space<hbm>>) target(%arg10 : memref<128x32xf32, #tpu.memory_space<vmem>>) offsets(%dma_start3A_29 : memref<128xi32, #tpu.memory_space<vmem>>) semaphore(%arg12 : memref<!tpu.dma_semaphore, #tpu.memory_space<semaphore_mem>>)
      %dma_wait3A = arith.constant 0 : i32
      %dma_wait3A_33 = arith.constant 0 : i32
      %dma_wait3A_34 = tpu.memref_slice %arg7[%dma_wait3A, %dma_wait3A_33] : memref<1x128xi32, #tpu.memory_space<vmem>> -> memref<1x128xi32, #tpu.memory_space<vmem>>
      %dma_wait3A_35 = tpu.memref_squeeze %dma_wait3A_34 : memref<1x128xi32, #tpu.memory_space<vmem>> -> memref<128xi32, #tpu.memory_space<vmem>>
      %dma_wait3A_36 = arith.constant 0 : i32
      %dma_wait3A_37 = arith.constant 0 : i32
      %dma_wait3A_38 = tpu.memref_slice %arg2[%dma_wait3A_36, %dma_wait3A_37] : memref<50000x32xf32, #tpu.memory_space<hbm>> -> memref<50000x32xf32, #tpu.memory_space<hbm>>
      tpu.wait_indirect_dma semaphore(%arg11 : memref<!tpu.dma_semaphore, #tpu.memory_space<semaphore_mem>>) src(%dma_wait3A_38 : memref<50000x32xf32, #tpu.memory_space<hbm>>) dst(%arg9 : memref<128x32xf32, #tpu.memory_space<vmem>>)
      %dma_wait3A_39 = arith.constant 0 : i32
      %dma_wait3A_40 = arith.constant 0 : i32
      %dma_wait3A_41 = tpu.memref_slice %arg8[%dma_wait3A_39, %dma_wait3A_40] : memref<1x128xi32, #tpu.memory_space<vmem>> -> memref<1x128xi32, #tpu.memory_space<vmem>>
      %dma_wait3A_42 = tpu.memref_squeeze %dma_wait3A_41 : memref<1x128xi32, #tpu.memory_space<vmem>> -> memref<128xi32, #tpu.memory_space<vmem>>
      %dma_wait3A_43 = arith.constant 0 : i32
      %dma_wait3A_44 = arith.constant 0 : i32
      %dma_wait3A_45 = tpu.memref_slice %arg2[%dma_wait3A_43, %dma_wait3A_44] : memref<50000x32xf32, #tpu.memory_space<hbm>> -> memref<50000x32xf32, #tpu.memory_space<hbm>>
      tpu.wait_indirect_dma semaphore(%arg12 : memref<!tpu.dma_semaphore, #tpu.memory_space<semaphore_mem>>) src(%dma_wait3A_45 : memref<50000x32xf32, #tpu.memory_space<hbm>>) dst(%arg10 : memref<128x32xf32, #tpu.memory_space<vmem>>)
      %mul3A_46 = arith.constant 128 : i32
      %mul3A_47 = arith.muli %add3A_19, %mul3A_46 : i32
      "tpu.region"() ({
        %run_scoped3A = tpu.sem_alloc : memref<!tpu.dma_semaphore, #tpu.memory_space<semaphore_mem>>
        %dma_start3A_50 = arith.constant 0 : i32
        %dma_start3A_51 = tpu.memref_slice %arg5[%mul3A_47, %dma_start3A_50] : memref<800000x32xf32, #tpu.memory_space<hbm>> -> memref<128x32xf32, #tpu.memory_space<hbm>>
        %dma_start3A_52 = arith.constant 0 : i32
        %dma_start3A_53 = tpu.memref_slice %arg5[%mul3A_47, %dma_start3A_52] : memref<800000x32xf32, #tpu.memory_space<hbm>> -> memref<128x32xf32, #tpu.memory_space<hbm>>
        tpu.enqueue_dma source(%arg9 : memref<128x32xf32, #tpu.memory_space<vmem>>) target(%dma_start3A_53 : memref<128x32xf32, #tpu.memory_space<hbm>>) target_semaphore(%run_scoped3A : memref<!tpu.dma_semaphore, #tpu.memory_space<semaphore_mem>>)
        %dma_wait3A_54 = arith.constant 0 : i32
        %dma_wait3A_55 = tpu.memref_slice %arg5[%mul3A_47, %dma_wait3A_54] : memref<800000x32xf32, #tpu.memory_space<hbm>> -> memref<128x32xf32, #tpu.memory_space<hbm>>
        %dma_wait3A_56 = arith.constant 0 : i32
        %dma_wait3A_57 = tpu.memref_slice %arg5[%mul3A_47, %dma_wait3A_56] : memref<800000x32xf32, #tpu.memory_space<hbm>> -> memref<128x32xf32, #tpu.memory_space<hbm>>
        tpu.wait_dma2 semaphore(%run_scoped3A : memref<!tpu.dma_semaphore, #tpu.memory_space<semaphore_mem>>) src(%arg9 : memref<128x32xf32, #tpu.memory_space<vmem>>) dst(%dma_wait3A_57 : memref<128x32xf32, #tpu.memory_space<hbm>>)
        tpu.yield
      }) : () -> ()
      %mul3A_48 = arith.constant 128 : i32
      %mul3A_49 = arith.muli %add3A_19, %mul3A_48 : i32
      "tpu.region"() ({
        %run_scoped3A = tpu.sem_alloc : memref<!tpu.dma_semaphore, #tpu.memory_space<semaphore_mem>>
        %dma_start3A_50 = arith.constant 0 : i32
        %dma_start3A_51 = tpu.memref_slice %arg6[%mul3A_49, %dma_start3A_50] : memref<800000x32xf32, #tpu.memory_space<hbm>> -> memref<128x32xf32, #tpu.memory_space<hbm>>
        %dma_start3A_52 = arith.constant 0 : i32
        %dma_start3A_53 = tpu.memref_slice %arg6[%mul3A_49, %dma_start3A_52] : memref<800000x32xf32, #tpu.memory_space<hbm>> -> memref<128x32xf32, #tpu.memory_space<hbm>>
        tpu.enqueue_dma source(%arg10 : memref<128x32xf32, #tpu.memory_space<vmem>>) target(%dma_start3A_53 : memref<128x32xf32, #tpu.memory_space<hbm>>) target_semaphore(%run_scoped3A : memref<!tpu.dma_semaphore, #tpu.memory_space<semaphore_mem>>)
        %dma_wait3A_54 = arith.constant 0 : i32
        %dma_wait3A_55 = tpu.memref_slice %arg6[%mul3A_49, %dma_wait3A_54] : memref<800000x32xf32, #tpu.memory_space<hbm>> -> memref<128x32xf32, #tpu.memory_space<hbm>>
        %dma_wait3A_56 = arith.constant 0 : i32
        %dma_wait3A_57 = tpu.memref_slice %arg6[%mul3A_49, %dma_wait3A_56] : memref<800000x32xf32, #tpu.memory_space<hbm>> -> memref<128x32xf32, #tpu.memory_space<hbm>>
        tpu.wait_dma2 semaphore(%run_scoped3A : memref<!tpu.dma_semaphore, #tpu.memory_space<semaphore_mem>>) src(%arg10 : memref<128x32xf32, #tpu.memory_space<vmem>>) dst(%dma_wait3A_57 : memref<128x32xf32, #tpu.memory_space<hbm>>)
        tpu.yield
      }) : () -> ()
    }
    return
  }
}

#map = affine_map<(d0, d1) -> (0, 0)>
#map1 = affine_map<(d0, d1) -> (0, 0, 0)>
module attributes {stable_mosaic.version = 14 : i64} {
  func.func @sk(%arg0: i32, %arg1: i32, %arg2: memref<800000x32xf32, #tpu.memory_space<hbm>>, %arg3: memref<6250x128xi32, #tpu.memory_space<hbm>>, %arg4: memref<832x32xf32, #tpu.memory_space<hbm>>, %arg5: memref<832x1xf32, #tpu.memory_space<hbm>>, %arg6: memref<128x1xf32, #tpu.memory_space<hbm>>, %arg7: memref<2x26624x32xf32, #tpu.memory_space<hbm>>, %arg8: memref<2x26624x1xf32, #tpu.memory_space<hbm>>, %arg9: memref<1x128xi32, #tpu.memory_space<vmem>>, %arg10: memref<1x128xi32, #tpu.memory_space<vmem>>, %arg11: memref<128x32xf32, #tpu.memory_space<vmem>>, %arg12: memref<128x1xf32, #tpu.memory_space<vmem>>, %arg13: memref<832x32xf32, #tpu.memory_space<vmem>>, %arg14: memref<832x1xf32, #tpu.memory_space<vmem>>, %arg15: memref<26624x32xf32, #tpu.memory_space<vmem_shared>>, %arg16: memref<26624x1xf32, #tpu.memory_space<vmem_shared>>) attributes {dimension_semantics = [#tpu.dimension_semantics<core_parallel>, #tpu.dimension_semantics<subcore_parallel>], iteration_bounds = array<i64: 2, 16>, scalar_prefetch = 0 : i64, scratch_operands = 8 : i64, tpu.core_type = #tpu.core_type<sc_vector_subcore>, window_params = [{transform_indices = #map}, {transform_indices = #map}, {transform_indices = #map}, {transform_indices = #map}, {transform_indices = #map}, {transform_indices = #map1}, {transform_indices = #map1}]} {
    %mul3A = arith.constant 1664 : i32
    %mul3A_0 = arith.muli %arg1, %mul3A : i32
    %mul3A_1 = arith.constant 26000 : i32
    %mul3A_2 = arith.muli %arg0, %mul3A_1 : i32
    "tpu.region"() ({
      %run_scoped3A = tpu.sem_alloc : memref<!tpu.dma_semaphore, #tpu.memory_space<semaphore_mem>>
      tpu.enqueue_dma source(%arg4 : memref<832x32xf32, #tpu.memory_space<hbm>>) target(%arg13 : memref<832x32xf32, #tpu.memory_space<vmem>>) target_semaphore(%run_scoped3A : memref<!tpu.dma_semaphore, #tpu.memory_space<semaphore_mem>>)
      tpu.wait_dma2 semaphore(%run_scoped3A : memref<!tpu.dma_semaphore, #tpu.memory_space<semaphore_mem>>) src(%arg4 : memref<832x32xf32, #tpu.memory_space<hbm>>) dst(%arg13 : memref<832x32xf32, #tpu.memory_space<vmem>>)
      tpu.yield
    }) : () -> ()
    "tpu.region"() ({
      %run_scoped3A = tpu.sem_alloc : memref<!tpu.dma_semaphore, #tpu.memory_space<semaphore_mem>>
      tpu.enqueue_dma source(%arg5 : memref<832x1xf32, #tpu.memory_space<hbm>>) target(%arg14 : memref<832x1xf32, #tpu.memory_space<vmem>>) target_semaphore(%run_scoped3A : memref<!tpu.dma_semaphore, #tpu.memory_space<semaphore_mem>>)
      tpu.wait_dma2 semaphore(%run_scoped3A : memref<!tpu.dma_semaphore, #tpu.memory_space<semaphore_mem>>) src(%arg5 : memref<832x1xf32, #tpu.memory_space<hbm>>) dst(%arg14 : memref<832x1xf32, #tpu.memory_space<vmem>>)
      tpu.yield
    }) : () -> ()
    "tpu.region"() ({
      %run_scoped3A = tpu.sem_alloc : memref<!tpu.dma_semaphore, #tpu.memory_space<semaphore_mem>>
      tpu.enqueue_dma source(%arg6 : memref<128x1xf32, #tpu.memory_space<hbm>>) target(%arg12 : memref<128x1xf32, #tpu.memory_space<vmem>>) target_semaphore(%run_scoped3A : memref<!tpu.dma_semaphore, #tpu.memory_space<semaphore_mem>>)
      tpu.wait_dma2 semaphore(%run_scoped3A : memref<!tpu.dma_semaphore, #tpu.memory_space<semaphore_mem>>) src(%arg6 : memref<128x1xf32, #tpu.memory_space<hbm>>) dst(%arg12 : memref<128x1xf32, #tpu.memory_space<vmem>>)
      tpu.yield
    }) : () -> ()
    %add3A = arith.constant 0 : i32
    %add3A_3 = arith.addi %mul3A_0, %add3A : i32
    "tpu.region"() ({
      %run_scoped3A = tpu.sem_alloc : memref<!tpu.dma_semaphore, #tpu.memory_space<semaphore_mem>>
      %dma_start3A = arith.constant 0 : i32
      %dma_start3A_44 = tpu.memref_slice %arg15[%add3A_3, %dma_start3A] : memref<26624x32xf32, #tpu.memory_space<vmem_shared>> -> memref<832x32xf32, #tpu.memory_space<vmem_shared>>
      %dma_start3A_45 = arith.constant 0 : i32
      %dma_start3A_46 = tpu.memref_slice %arg15[%add3A_3, %dma_start3A_45] : memref<26624x32xf32, #tpu.memory_space<vmem_shared>> -> memref<832x32xf32, #tpu.memory_space<vmem_shared>>
      tpu.enqueue_dma source(%arg13 : memref<832x32xf32, #tpu.memory_space<vmem>>) target(%dma_start3A_46 : memref<832x32xf32, #tpu.memory_space<vmem_shared>>) target_semaphore(%run_scoped3A : memref<!tpu.dma_semaphore, #tpu.memory_space<semaphore_mem>>)
      %dma_wait3A = arith.constant 0 : i32
      %dma_wait3A_47 = tpu.memref_slice %arg15[%add3A_3, %dma_wait3A] : memref<26624x32xf32, #tpu.memory_space<vmem_shared>> -> memref<832x32xf32, #tpu.memory_space<vmem_shared>>
      %dma_wait3A_48 = arith.constant 0 : i32
      %dma_wait3A_49 = tpu.memref_slice %arg15[%add3A_3, %dma_wait3A_48] : memref<26624x32xf32, #tpu.memory_space<vmem_shared>> -> memref<832x32xf32, #tpu.memory_space<vmem_shared>>
      tpu.wait_dma2 semaphore(%run_scoped3A : memref<!tpu.dma_semaphore, #tpu.memory_space<semaphore_mem>>) src(%arg13 : memref<832x32xf32, #tpu.memory_space<vmem>>) dst(%dma_wait3A_49 : memref<832x32xf32, #tpu.memory_space<vmem_shared>>)
      tpu.yield
    }) : () -> ()
    %add3A_4 = arith.constant 0 : i32
    %add3A_5 = arith.addi %mul3A_0, %add3A_4 : i32
    "tpu.region"() ({
      %run_scoped3A = tpu.sem_alloc : memref<!tpu.dma_semaphore, #tpu.memory_space<semaphore_mem>>
      %dma_start3A = arith.constant 0 : i32
      %dma_start3A_44 = tpu.memref_slice %arg16[%add3A_5, %dma_start3A] : memref<26624x1xf32, #tpu.memory_space<vmem_shared>> -> memref<832x1xf32, #tpu.memory_space<vmem_shared>>
      %dma_start3A_45 = arith.constant 0 : i32
      %dma_start3A_46 = tpu.memref_slice %arg16[%add3A_5, %dma_start3A_45] : memref<26624x1xf32, #tpu.memory_space<vmem_shared>> -> memref<832x1xf32, #tpu.memory_space<vmem_shared>>
      tpu.enqueue_dma source(%arg14 : memref<832x1xf32, #tpu.memory_space<vmem>>) target(%dma_start3A_46 : memref<832x1xf32, #tpu.memory_space<vmem_shared>>) target_semaphore(%run_scoped3A : memref<!tpu.dma_semaphore, #tpu.memory_space<semaphore_mem>>)
      %dma_wait3A = arith.constant 0 : i32
      %dma_wait3A_47 = tpu.memref_slice %arg16[%add3A_5, %dma_wait3A] : memref<26624x1xf32, #tpu.memory_space<vmem_shared>> -> memref<832x1xf32, #tpu.memory_space<vmem_shared>>
      %dma_wait3A_48 = arith.constant 0 : i32
      %dma_wait3A_49 = tpu.memref_slice %arg16[%add3A_5, %dma_wait3A_48] : memref<26624x1xf32, #tpu.memory_space<vmem_shared>> -> memref<832x1xf32, #tpu.memory_space<vmem_shared>>
      tpu.wait_dma2 semaphore(%run_scoped3A : memref<!tpu.dma_semaphore, #tpu.memory_space<semaphore_mem>>) src(%arg14 : memref<832x1xf32, #tpu.memory_space<vmem>>) dst(%dma_wait3A_49 : memref<832x1xf32, #tpu.memory_space<vmem_shared>>)
      tpu.yield
    }) : () -> ()
    %add3A_6 = arith.constant 832 : i32
    %add3A_7 = arith.addi %mul3A_0, %add3A_6 : i32
    "tpu.region"() ({
      %run_scoped3A = tpu.sem_alloc : memref<!tpu.dma_semaphore, #tpu.memory_space<semaphore_mem>>
      %dma_start3A = arith.constant 0 : i32
      %dma_start3A_44 = tpu.memref_slice %arg15[%add3A_7, %dma_start3A] : memref<26624x32xf32, #tpu.memory_space<vmem_shared>> -> memref<832x32xf32, #tpu.memory_space<vmem_shared>>
      %dma_start3A_45 = arith.constant 0 : i32
      %dma_start3A_46 = tpu.memref_slice %arg15[%add3A_7, %dma_start3A_45] : memref<26624x32xf32, #tpu.memory_space<vmem_shared>> -> memref<832x32xf32, #tpu.memory_space<vmem_shared>>
      tpu.enqueue_dma source(%arg13 : memref<832x32xf32, #tpu.memory_space<vmem>>) target(%dma_start3A_46 : memref<832x32xf32, #tpu.memory_space<vmem_shared>>) target_semaphore(%run_scoped3A : memref<!tpu.dma_semaphore, #tpu.memory_space<semaphore_mem>>)
      %dma_wait3A = arith.constant 0 : i32
      %dma_wait3A_47 = tpu.memref_slice %arg15[%add3A_7, %dma_wait3A] : memref<26624x32xf32, #tpu.memory_space<vmem_shared>> -> memref<832x32xf32, #tpu.memory_space<vmem_shared>>
      %dma_wait3A_48 = arith.constant 0 : i32
      %dma_wait3A_49 = tpu.memref_slice %arg15[%add3A_7, %dma_wait3A_48] : memref<26624x32xf32, #tpu.memory_space<vmem_shared>> -> memref<832x32xf32, #tpu.memory_space<vmem_shared>>
      tpu.wait_dma2 semaphore(%run_scoped3A : memref<!tpu.dma_semaphore, #tpu.memory_space<semaphore_mem>>) src(%arg13 : memref<832x32xf32, #tpu.memory_space<vmem>>) dst(%dma_wait3A_49 : memref<832x32xf32, #tpu.memory_space<vmem_shared>>)
      tpu.yield
    }) : () -> ()
    %add3A_8 = arith.constant 832 : i32
    %add3A_9 = arith.addi %mul3A_0, %add3A_8 : i32
    "tpu.region"() ({
      %run_scoped3A = tpu.sem_alloc : memref<!tpu.dma_semaphore, #tpu.memory_space<semaphore_mem>>
      %dma_start3A = arith.constant 0 : i32
      %dma_start3A_44 = tpu.memref_slice %arg16[%add3A_9, %dma_start3A] : memref<26624x1xf32, #tpu.memory_space<vmem_shared>> -> memref<832x1xf32, #tpu.memory_space<vmem_shared>>
      %dma_start3A_45 = arith.constant 0 : i32
      %dma_start3A_46 = tpu.memref_slice %arg16[%add3A_9, %dma_start3A_45] : memref<26624x1xf32, #tpu.memory_space<vmem_shared>> -> memref<832x1xf32, #tpu.memory_space<vmem_shared>>
      tpu.enqueue_dma source(%arg14 : memref<832x1xf32, #tpu.memory_space<vmem>>) target(%dma_start3A_46 : memref<832x1xf32, #tpu.memory_space<vmem_shared>>) target_semaphore(%run_scoped3A : memref<!tpu.dma_semaphore, #tpu.memory_space<semaphore_mem>>)
      %dma_wait3A = arith.constant 0 : i32
      %dma_wait3A_47 = tpu.memref_slice %arg16[%add3A_9, %dma_wait3A] : memref<26624x1xf32, #tpu.memory_space<vmem_shared>> -> memref<832x1xf32, #tpu.memory_space<vmem_shared>>
      %dma_wait3A_48 = arith.constant 0 : i32
      %dma_wait3A_49 = tpu.memref_slice %arg16[%add3A_9, %dma_wait3A_48] : memref<26624x1xf32, #tpu.memory_space<vmem_shared>> -> memref<832x1xf32, #tpu.memory_space<vmem_shared>>
      tpu.wait_dma2 semaphore(%run_scoped3A : memref<!tpu.dma_semaphore, #tpu.memory_space<semaphore_mem>>) src(%arg14 : memref<832x1xf32, #tpu.memory_space<vmem>>) dst(%dma_wait3A_49 : memref<832x1xf32, #tpu.memory_space<vmem_shared>>)
      tpu.yield
    }) : () -> ()
    %barrier3A = arith.constant 0 : index
    tpu.barrier barrier_id(%barrier3A)
    %lt3A = arith.constant 10 : i32
    %lt3A_10 = arith.cmpi slt, %arg1, %lt3A : i32
    %jit3A = arith.constant 1 : i32
    %jit3A_11 = arith.constant 0 : i32
    %select_n3A = arith.select %lt3A_10, %jit3A, %jit3A_11 : i32
    %add3A_12 = arith.constant 390 : i32
    %add3A_13 = arith.addi %add3A_12, %select_n3A : i32
    %mul3A_14 = arith.constant 390 : i32
    %mul3A_15 = arith.muli %arg1, %mul3A_14 : i32
    %min3A = arith.constant 10 : i32
    %min3A_16 = arith.minsi %arg1, %min3A : i32
    %add3A_17 = arith.addi %mul3A_15, %min3A_16 : i32
    %while3A = arith.constant 0 : i32
    %while3A_18 = arith.constant 0 : i32
    %while3A_19 = arith.subi %add3A_13, %while3A_18 : i32
    %while3A_20 = arith.addi %while3A_18, %while3A_19 : i32
    %while3A_21 = arith.constant 1 : i32
    %while3A_22 = arith.divsi %while3A_19, %while3A_21 : i32
    %while3A_23 = arith.muli %while3A_22, %while3A_21 : i32
    %while3A_24 = arith.addi %while3A_18, %while3A_23 : i32
    %while3A_25 = arith.constant 1 : i32
    scf.for %while3A_44 = %while3A_18 to %while3A_24 step %while3A_25  : i32 {
      %add3A_45 = arith.addi %add3A_17, %while3A_44 : i32
      "tpu.region"() ({
        %run_scoped3A_227 = tpu.sem_alloc : memref<!tpu.dma_semaphore, #tpu.memory_space<semaphore_mem>>
        %dma_start3A = arith.constant 0 : i32
        %dma_start3A_228 = tpu.memref_slice %arg3[%add3A_45, %dma_start3A] : memref<6250x128xi32, #tpu.memory_space<hbm>> -> memref<1x128xi32, #tpu.memory_space<hbm>>
        %dma_start3A_229 = arith.constant 0 : i32
        %dma_start3A_230 = tpu.memref_slice %arg3[%add3A_45, %dma_start3A_229] : memref<6250x128xi32, #tpu.memory_space<hbm>> -> memref<1x128xi32, #tpu.memory_space<hbm>>
        tpu.enqueue_dma source(%dma_start3A_230 : memref<1x128xi32, #tpu.memory_space<hbm>>) target(%arg9 : memref<1x128xi32, #tpu.memory_space<vmem>>) target_semaphore(%run_scoped3A_227 : memref<!tpu.dma_semaphore, #tpu.memory_space<semaphore_mem>>)
        %dma_wait3A = arith.constant 0 : i32
        %dma_wait3A_231 = tpu.memref_slice %arg3[%add3A_45, %dma_wait3A] : memref<6250x128xi32, #tpu.memory_space<hbm>> -> memref<1x128xi32, #tpu.memory_space<hbm>>
        %dma_wait3A_232 = arith.constant 0 : i32
        %dma_wait3A_233 = tpu.memref_slice %arg3[%add3A_45, %dma_wait3A_232] : memref<6250x128xi32, #tpu.memory_space<hbm>> -> memref<1x128xi32, #tpu.memory_space<hbm>>
        tpu.wait_dma2 semaphore(%run_scoped3A_227 : memref<!tpu.dma_semaphore, #tpu.memory_space<semaphore_mem>>) src(%dma_wait3A_233 : memref<1x128xi32, #tpu.memory_space<hbm>>) dst(%arg9 : memref<1x128xi32, #tpu.memory_space<vmem>>)
        tpu.yield
      }) : () -> ()
      %mul3A_46 = arith.constant 128 : i32
      %mul3A_47 = arith.muli %add3A_45, %mul3A_46 : i32
      "tpu.region"() ({
        %run_scoped3A_227 = tpu.sem_alloc : memref<!tpu.dma_semaphore, #tpu.memory_space<semaphore_mem>>
        %dma_start3A = arith.constant 0 : i32
        %dma_start3A_228 = tpu.memref_slice %arg2[%mul3A_47, %dma_start3A] : memref<800000x32xf32, #tpu.memory_space<hbm>> -> memref<128x32xf32, #tpu.memory_space<hbm>>
        %dma_start3A_229 = arith.constant 0 : i32
        %dma_start3A_230 = tpu.memref_slice %arg2[%mul3A_47, %dma_start3A_229] : memref<800000x32xf32, #tpu.memory_space<hbm>> -> memref<128x32xf32, #tpu.memory_space<hbm>>
        tpu.enqueue_dma source(%dma_start3A_230 : memref<128x32xf32, #tpu.memory_space<hbm>>) target(%arg11 : memref<128x32xf32, #tpu.memory_space<vmem>>) target_semaphore(%run_scoped3A_227 : memref<!tpu.dma_semaphore, #tpu.memory_space<semaphore_mem>>)
        %dma_wait3A = arith.constant 0 : i32
        %dma_wait3A_231 = tpu.memref_slice %arg2[%mul3A_47, %dma_wait3A] : memref<800000x32xf32, #tpu.memory_space<hbm>> -> memref<128x32xf32, #tpu.memory_space<hbm>>
        %dma_wait3A_232 = arith.constant 0 : i32
        %dma_wait3A_233 = tpu.memref_slice %arg2[%mul3A_47, %dma_wait3A_232] : memref<800000x32xf32, #tpu.memory_space<hbm>> -> memref<128x32xf32, #tpu.memory_space<hbm>>
        tpu.wait_dma2 semaphore(%run_scoped3A_227 : memref<!tpu.dma_semaphore, #tpu.memory_space<semaphore_mem>>) src(%dma_wait3A_233 : memref<128x32xf32, #tpu.memory_space<hbm>>) dst(%arg11 : memref<128x32xf32, #tpu.memory_space<vmem>>)
        tpu.yield
      }) : () -> ()
      %get3A = arith.constant 0 : i32
      %get3A_48 = arith.index_cast %get3A : i32 to index
      %get3A_49 = arith.constant 0 : index
      %get3A_50 = tpu.vector_load %arg9[%get3A_48, %get3A_49] {strides = array<i32>} : memref<1x128xi32, #tpu.memory_space<vmem>>, vector<1x16xi32>,
      %get3A_51 = vector.shape_cast %get3A_50 : vector<1x16xi32> to vector<16xi32>
      %sub3A = vector.broadcast %mul3A_2 : i32 to vector<16xi32>
      %sub3A_52 = arith.subi %get3A_51, %sub3A : vector<16xi32>
      %ge3A = arith.constant 0 : i32
      %ge3A_53 = vector.broadcast %ge3A : i32 to vector<16xi32>
      %ge3A_54 = arith.cmpi sge, %sub3A_52, %ge3A_53 : vector<16xi32>
      %lt3A_55 = arith.constant 26000 : i32
      %lt3A_56 = vector.broadcast %lt3A_55 : i32 to vector<16xi32>
      %lt3A_57 = arith.cmpi slt, %sub3A_52, %lt3A_56 : vector<16xi32>
      %and3A = arith.andi %ge3A_54, %lt3A_57 : vector<16xi1>
      %jit3A_58 = arith.constant 26016 : i32
      %broadcast_in_dim3A = vector.broadcast %jit3A_58 : i32 to vector<16xi32>
      %select_n3A_59 = arith.select %and3A, %sub3A_52, %broadcast_in_dim3A : vector<16xi1>, vector<16xi32>
      %swap3A = arith.constant 0 : i32
      %swap3A_60 = arith.index_cast %swap3A : i32 to index
      %swap3A_61 = arith.constant 0 : index
      %swap3A_62 = tpu.vector_load %arg10[%swap3A_60, %swap3A_61] {strides = array<i32>} : memref<1x128xi32, #tpu.memory_space<vmem>>, vector<1x16xi32>,
      %swap3A_63 = vector.shape_cast %swap3A_62 : vector<1x16xi32> to vector<16xi32>
      %swap3A_64 = vector.shape_cast %select_n3A_59 : vector<16xi32> to vector<1x16xi32>
      tpu.vector_store %arg10[%swap3A_60, %swap3A_61], %swap3A_64 {strides = array<i32>} : memref<1x128xi32, #tpu.memory_space<vmem>>, vector<1x16xi32>,
      %get3A_65 = arith.constant 0 : i32
      %get3A_66 = arith.index_cast %get3A_65 : i32 to index
      %get3A_67 = arith.constant 16 : index
      %get3A_68 = tpu.vector_load %arg9[%get3A_66, %get3A_67] {strides = array<i32>} : memref<1x128xi32, #tpu.memory_space<vmem>>, vector<1x16xi32>,
      %get3A_69 = vector.shape_cast %get3A_68 : vector<1x16xi32> to vector<16xi32>
      %sub3A_70 = vector.broadcast %mul3A_2 : i32 to vector<16xi32>
      %sub3A_71 = arith.subi %get3A_69, %sub3A_70 : vector<16xi32>
      %ge3A_72 = arith.constant 0 : i32
      %ge3A_73 = vector.broadcast %ge3A_72 : i32 to vector<16xi32>
      %ge3A_74 = arith.cmpi sge, %sub3A_71, %ge3A_73 : vector<16xi32>
      %lt3A_75 = arith.constant 26000 : i32
      %lt3A_76 = vector.broadcast %lt3A_75 : i32 to vector<16xi32>
      %lt3A_77 = arith.cmpi slt, %sub3A_71, %lt3A_76 : vector<16xi32>
      %and3A_78 = arith.andi %ge3A_74, %lt3A_77 : vector<16xi1>
      %jit3A_79 = arith.constant 26016 : i32
      %broadcast_in_dim3A_80 = vector.broadcast %jit3A_79 : i32 to vector<16xi32>
      %select_n3A_81 = arith.select %and3A_78, %sub3A_71, %broadcast_in_dim3A_80 : vector<16xi1>, vector<16xi32>
      %swap3A_82 = arith.constant 0 : i32
      %swap3A_83 = arith.index_cast %swap3A_82 : i32 to index
      %swap3A_84 = arith.constant 16 : index
      %swap3A_85 = tpu.vector_load %arg10[%swap3A_83, %swap3A_84] {strides = array<i32>} : memref<1x128xi32, #tpu.memory_space<vmem>>, vector<1x16xi32>,
      %swap3A_86 = vector.shape_cast %swap3A_85 : vector<1x16xi32> to vector<16xi32>
      %swap3A_87 = vector.shape_cast %select_n3A_81 : vector<16xi32> to vector<1x16xi32>
      tpu.vector_store %arg10[%swap3A_83, %swap3A_84], %swap3A_87 {strides = array<i32>} : memref<1x128xi32, #tpu.memory_space<vmem>>, vector<1x16xi32>,
      %get3A_88 = arith.constant 0 : i32
      %get3A_89 = arith.index_cast %get3A_88 : i32 to index
      %get3A_90 = arith.constant 32 : index
      %get3A_91 = tpu.vector_load %arg9[%get3A_89, %get3A_90] {strides = array<i32>} : memref<1x128xi32, #tpu.memory_space<vmem>>, vector<1x16xi32>,
      %get3A_92 = vector.shape_cast %get3A_91 : vector<1x16xi32> to vector<16xi32>
      %sub3A_93 = vector.broadcast %mul3A_2 : i32 to vector<16xi32>
      %sub3A_94 = arith.subi %get3A_92, %sub3A_93 : vector<16xi32>
      %ge3A_95 = arith.constant 0 : i32
      %ge3A_96 = vector.broadcast %ge3A_95 : i32 to vector<16xi32>
      %ge3A_97 = arith.cmpi sge, %sub3A_94, %ge3A_96 : vector<16xi32>
      %lt3A_98 = arith.constant 26000 : i32
      %lt3A_99 = vector.broadcast %lt3A_98 : i32 to vector<16xi32>
      %lt3A_100 = arith.cmpi slt, %sub3A_94, %lt3A_99 : vector<16xi32>
      %and3A_101 = arith.andi %ge3A_97, %lt3A_100 : vector<16xi1>
      %jit3A_102 = arith.constant 26016 : i32
      %broadcast_in_dim3A_103 = vector.broadcast %jit3A_102 : i32 to vector<16xi32>
      %select_n3A_104 = arith.select %and3A_101, %sub3A_94, %broadcast_in_dim3A_103 : vector<16xi1>, vector<16xi32>
      %swap3A_105 = arith.constant 0 : i32
      %swap3A_106 = arith.index_cast %swap3A_105 : i32 to index
      %swap3A_107 = arith.constant 32 : index
      %swap3A_108 = tpu.vector_load %arg10[%swap3A_106, %swap3A_107] {strides = array<i32>} : memref<1x128xi32, #tpu.memory_space<vmem>>, vector<1x16xi32>,
      %swap3A_109 = vector.shape_cast %swap3A_108 : vector<1x16xi32> to vector<16xi32>
      %swap3A_110 = vector.shape_cast %select_n3A_104 : vector<16xi32> to vector<1x16xi32>
      tpu.vector_store %arg10[%swap3A_106, %swap3A_107], %swap3A_110 {strides = array<i32>} : memref<1x128xi32, #tpu.memory_space<vmem>>, vector<1x16xi32>,
      %get3A_111 = arith.constant 0 : i32
      %get3A_112 = arith.index_cast %get3A_111 : i32 to index
      %get3A_113 = arith.constant 48 : index
      %get3A_114 = tpu.vector_load %arg9[%get3A_112, %get3A_113] {strides = array<i32>} : memref<1x128xi32, #tpu.memory_space<vmem>>, vector<1x16xi32>,
      %get3A_115 = vector.shape_cast %get3A_114 : vector<1x16xi32> to vector<16xi32>
      %sub3A_116 = vector.broadcast %mul3A_2 : i32 to vector<16xi32>
      %sub3A_117 = arith.subi %get3A_115, %sub3A_116 : vector<16xi32>
      %ge3A_118 = arith.constant 0 : i32
      %ge3A_119 = vector.broadcast %ge3A_118 : i32 to vector<16xi32>
      %ge3A_120 = arith.cmpi sge, %sub3A_117, %ge3A_119 : vector<16xi32>
      %lt3A_121 = arith.constant 26000 : i32
      %lt3A_122 = vector.broadcast %lt3A_121 : i32 to vector<16xi32>
      %lt3A_123 = arith.cmpi slt, %sub3A_117, %lt3A_122 : vector<16xi32>
      %and3A_124 = arith.andi %ge3A_120, %lt3A_123 : vector<16xi1>
      %jit3A_125 = arith.constant 26016 : i32
      %broadcast_in_dim3A_126 = vector.broadcast %jit3A_125 : i32 to vector<16xi32>
      %select_n3A_127 = arith.select %and3A_124, %sub3A_117, %broadcast_in_dim3A_126 : vector<16xi1>, vector<16xi32>
      %swap3A_128 = arith.constant 0 : i32
      %swap3A_129 = arith.index_cast %swap3A_128 : i32 to index
      %swap3A_130 = arith.constant 48 : index
      %swap3A_131 = tpu.vector_load %arg10[%swap3A_129, %swap3A_130] {strides = array<i32>} : memref<1x128xi32, #tpu.memory_space<vmem>>, vector<1x16xi32>,
      %swap3A_132 = vector.shape_cast %swap3A_131 : vector<1x16xi32> to vector<16xi32>
      %swap3A_133 = vector.shape_cast %select_n3A_127 : vector<16xi32> to vector<1x16xi32>
      tpu.vector_store %arg10[%swap3A_129, %swap3A_130], %swap3A_133 {strides = array<i32>} : memref<1x128xi32, #tpu.memory_space<vmem>>, vector<1x16xi32>,
      %get3A_134 = arith.constant 0 : i32
      %get3A_135 = arith.index_cast %get3A_134 : i32 to index
      %get3A_136 = arith.constant 64 : index
      %get3A_137 = tpu.vector_load %arg9[%get3A_135, %get3A_136] {strides = array<i32>} : memref<1x128xi32, #tpu.memory_space<vmem>>, vector<1x16xi32>,
      %get3A_138 = vector.shape_cast %get3A_137 : vector<1x16xi32> to vector<16xi32>
      %sub3A_139 = vector.broadcast %mul3A_2 : i32 to vector<16xi32>
      %sub3A_140 = arith.subi %get3A_138, %sub3A_139 : vector<16xi32>
      %ge3A_141 = arith.constant 0 : i32
      %ge3A_142 = vector.broadcast %ge3A_141 : i32 to vector<16xi32>
      %ge3A_143 = arith.cmpi sge, %sub3A_140, %ge3A_142 : vector<16xi32>
      %lt3A_144 = arith.constant 26000 : i32
      %lt3A_145 = vector.broadcast %lt3A_144 : i32 to vector<16xi32>
      %lt3A_146 = arith.cmpi slt, %sub3A_140, %lt3A_145 : vector<16xi32>
      %and3A_147 = arith.andi %ge3A_143, %lt3A_146 : vector<16xi1>
      %jit3A_148 = arith.constant 26016 : i32
      %broadcast_in_dim3A_149 = vector.broadcast %jit3A_148 : i32 to vector<16xi32>
      %select_n3A_150 = arith.select %and3A_147, %sub3A_140, %broadcast_in_dim3A_149 : vector<16xi1>, vector<16xi32>
      %swap3A_151 = arith.constant 0 : i32
      %swap3A_152 = arith.index_cast %swap3A_151 : i32 to index
      %swap3A_153 = arith.constant 64 : index
      %swap3A_154 = tpu.vector_load %arg10[%swap3A_152, %swap3A_153] {strides = array<i32>} : memref<1x128xi32, #tpu.memory_space<vmem>>, vector<1x16xi32>,
      %swap3A_155 = vector.shape_cast %swap3A_154 : vector<1x16xi32> to vector<16xi32>
      %swap3A_156 = vector.shape_cast %select_n3A_150 : vector<16xi32> to vector<1x16xi32>
      tpu.vector_store %arg10[%swap3A_152, %swap3A_153], %swap3A_156 {strides = array<i32>} : memref<1x128xi32, #tpu.memory_space<vmem>>, vector<1x16xi32>,
      %get3A_157 = arith.constant 0 : i32
      %get3A_158 = arith.index_cast %get3A_157 : i32 to index
      %get3A_159 = arith.constant 80 : index
      %get3A_160 = tpu.vector_load %arg9[%get3A_158, %get3A_159] {strides = array<i32>} : memref<1x128xi32, #tpu.memory_space<vmem>>, vector<1x16xi32>,
      %get3A_161 = vector.shape_cast %get3A_160 : vector<1x16xi32> to vector<16xi32>
      %sub3A_162 = vector.broadcast %mul3A_2 : i32 to vector<16xi32>
      %sub3A_163 = arith.subi %get3A_161, %sub3A_162 : vector<16xi32>
      %ge3A_164 = arith.constant 0 : i32
      %ge3A_165 = vector.broadcast %ge3A_164 : i32 to vector<16xi32>
      %ge3A_166 = arith.cmpi sge, %sub3A_163, %ge3A_165 : vector<16xi32>
      %lt3A_167 = arith.constant 26000 : i32
      %lt3A_168 = vector.broadcast %lt3A_167 : i32 to vector<16xi32>
      %lt3A_169 = arith.cmpi slt, %sub3A_163, %lt3A_168 : vector<16xi32>
      %and3A_170 = arith.andi %ge3A_166, %lt3A_169 : vector<16xi1>
      %jit3A_171 = arith.constant 26016 : i32
      %broadcast_in_dim3A_172 = vector.broadcast %jit3A_171 : i32 to vector<16xi32>
      %select_n3A_173 = arith.select %and3A_170, %sub3A_163, %broadcast_in_dim3A_172 : vector<16xi1>, vector<16xi32>
      %swap3A_174 = arith.constant 0 : i32
      %swap3A_175 = arith.index_cast %swap3A_174 : i32 to index
      %swap3A_176 = arith.constant 80 : index
      %swap3A_177 = tpu.vector_load %arg10[%swap3A_175, %swap3A_176] {strides = array<i32>} : memref<1x128xi32, #tpu.memory_space<vmem>>, vector<1x16xi32>,
      %swap3A_178 = vector.shape_cast %swap3A_177 : vector<1x16xi32> to vector<16xi32>
      %swap3A_179 = vector.shape_cast %select_n3A_173 : vector<16xi32> to vector<1x16xi32>
      tpu.vector_store %arg10[%swap3A_175, %swap3A_176], %swap3A_179 {strides = array<i32>} : memref<1x128xi32, #tpu.memory_space<vmem>>, vector<1x16xi32>,
      %get3A_180 = arith.constant 0 : i32
      %get3A_181 = arith.index_cast %get3A_180 : i32 to index
      %get3A_182 = arith.constant 96 : index
      %get3A_183 = tpu.vector_load %arg9[%get3A_181, %get3A_182] {strides = array<i32>} : memref<1x128xi32, #tpu.memory_space<vmem>>, vector<1x16xi32>,
      %get3A_184 = vector.shape_cast %get3A_183 : vector<1x16xi32> to vector<16xi32>
      %sub3A_185 = vector.broadcast %mul3A_2 : i32 to vector<16xi32>
      %sub3A_186 = arith.subi %get3A_184, %sub3A_185 : vector<16xi32>
      %ge3A_187 = arith.constant 0 : i32
      %ge3A_188 = vector.broadcast %ge3A_187 : i32 to vector<16xi32>
      %ge3A_189 = arith.cmpi sge, %sub3A_186, %ge3A_188 : vector<16xi32>
      %lt3A_190 = arith.constant 26000 : i32
      %lt3A_191 = vector.broadcast %lt3A_190 : i32 to vector<16xi32>
      %lt3A_192 = arith.cmpi slt, %sub3A_186, %lt3A_191 : vector<16xi32>
      %and3A_193 = arith.andi %ge3A_189, %lt3A_192 : vector<16xi1>
      %jit3A_194 = arith.constant 26016 : i32
      %broadcast_in_dim3A_195 = vector.broadcast %jit3A_194 : i32 to vector<16xi32>
      %select_n3A_196 = arith.select %and3A_193, %sub3A_186, %broadcast_in_dim3A_195 : vector<16xi1>, vector<16xi32>
      %swap3A_197 = arith.constant 0 : i32
      %swap3A_198 = arith.index_cast %swap3A_197 : i32 to index
      %swap3A_199 = arith.constant 96 : index
      %swap3A_200 = tpu.vector_load %arg10[%swap3A_198, %swap3A_199] {strides = array<i32>} : memref<1x128xi32, #tpu.memory_space<vmem>>, vector<1x16xi32>,
      %swap3A_201 = vector.shape_cast %swap3A_200 : vector<1x16xi32> to vector<16xi32>
      %swap3A_202 = vector.shape_cast %select_n3A_196 : vector<16xi32> to vector<1x16xi32>
      tpu.vector_store %arg10[%swap3A_198, %swap3A_199], %swap3A_202 {strides = array<i32>} : memref<1x128xi32, #tpu.memory_space<vmem>>, vector<1x16xi32>,
      %get3A_203 = arith.constant 0 : i32
      %get3A_204 = arith.index_cast %get3A_203 : i32 to index
      %get3A_205 = arith.constant 112 : index
      %get3A_206 = tpu.vector_load %arg9[%get3A_204, %get3A_205] {strides = array<i32>} : memref<1x128xi32, #tpu.memory_space<vmem>>, vector<1x16xi32>,
      %get3A_207 = vector.shape_cast %get3A_206 : vector<1x16xi32> to vector<16xi32>
      %sub3A_208 = vector.broadcast %mul3A_2 : i32 to vector<16xi32>
      %sub3A_209 = arith.subi %get3A_207, %sub3A_208 : vector<16xi32>
      %ge3A_210 = arith.constant 0 : i32
      %ge3A_211 = vector.broadcast %ge3A_210 : i32 to vector<16xi32>
      %ge3A_212 = arith.cmpi sge, %sub3A_209, %ge3A_211 : vector<16xi32>
      %lt3A_213 = arith.constant 26000 : i32
      %lt3A_214 = vector.broadcast %lt3A_213 : i32 to vector<16xi32>
      %lt3A_215 = arith.cmpi slt, %sub3A_209, %lt3A_214 : vector<16xi32>
      %and3A_216 = arith.andi %ge3A_212, %lt3A_215 : vector<16xi1>
      %jit3A_217 = arith.constant 26016 : i32
      %broadcast_in_dim3A_218 = vector.broadcast %jit3A_217 : i32 to vector<16xi32>
      %select_n3A_219 = arith.select %and3A_216, %sub3A_209, %broadcast_in_dim3A_218 : vector<16xi1>, vector<16xi32>
      %swap3A_220 = arith.constant 0 : i32
      %swap3A_221 = arith.index_cast %swap3A_220 : i32 to index
      %swap3A_222 = arith.constant 112 : index
      %swap3A_223 = tpu.vector_load %arg10[%swap3A_221, %swap3A_222] {strides = array<i32>} : memref<1x128xi32, #tpu.memory_space<vmem>>, vector<1x16xi32>,
      %swap3A_224 = vector.shape_cast %swap3A_223 : vector<1x16xi32> to vector<16xi32>
      %swap3A_225 = vector.shape_cast %select_n3A_219 : vector<16xi32> to vector<1x16xi32>
      tpu.vector_store %arg10[%swap3A_221, %swap3A_222], %swap3A_225 {strides = array<i32>} : memref<1x128xi32, #tpu.memory_space<vmem>>, vector<1x16xi32>,
      %run_scoped3A = arith.constant 0 : i32
      "tpu.region"() ({
        %run_scoped3A_227 = tpu.sem_alloc : memref<!tpu.dma_semaphore, #tpu.memory_space<semaphore_mem>>
        %dma_start3A = arith.constant 0 : i32
        %dma_start3A_228 = tpu.memref_slice %arg10[%run_scoped3A, %dma_start3A] : memref<1x128xi32, #tpu.memory_space<vmem>> -> memref<1x128xi32, #tpu.memory_space<vmem>>
        %dma_start3A_229 = tpu.memref_squeeze %dma_start3A_228 : memref<1x128xi32, #tpu.memory_space<vmem>> -> memref<128xi32, #tpu.memory_space<vmem>>
        %dma_start3A_230 = arith.constant 0 : i32
        %dma_start3A_231 = arith.constant 0 : i32
        %dma_start3A_232 = tpu.memref_slice %arg15[%dma_start3A_230, %dma_start3A_231] : memref<26624x32xf32, #tpu.memory_space<vmem_shared>> -> memref<26624x32xf32, #tpu.memory_space<vmem_shared>>
        tpu.enqueue_indirect_dma source(%arg11 : memref<128x32xf32, #tpu.memory_space<vmem>>) target(%dma_start3A_232 : memref<26624x32xf32, #tpu.memory_space<vmem_shared>>) offsets(%dma_start3A_229 : memref<128xi32, #tpu.memory_space<vmem>>) semaphore(%run_scoped3A_227 : memref<!tpu.dma_semaphore, #tpu.memory_space<semaphore_mem>>) {add = true}
        %dma_wait3A = arith.constant 0 : i32
        %dma_wait3A_233 = tpu.memref_slice %arg10[%run_scoped3A, %dma_wait3A] : memref<1x128xi32, #tpu.memory_space<vmem>> -> memref<1x128xi32, #tpu.memory_space<vmem>>
        %dma_wait3A_234 = tpu.memref_squeeze %dma_wait3A_233 : memref<1x128xi32, #tpu.memory_space<vmem>> -> memref<128xi32, #tpu.memory_space<vmem>>
        %dma_wait3A_235 = arith.constant 0 : i32
        %dma_wait3A_236 = arith.constant 0 : i32
        %dma_wait3A_237 = tpu.memref_slice %arg15[%dma_wait3A_235, %dma_wait3A_236] : memref<26624x32xf32, #tpu.memory_space<vmem_shared>> -> memref<26624x32xf32, #tpu.memory_space<vmem_shared>>
        tpu.wait_indirect_dma semaphore(%run_scoped3A_227 : memref<!tpu.dma_semaphore, #tpu.memory_space<semaphore_mem>>) src(%arg11 : memref<128x32xf32, #tpu.memory_space<vmem>>) dst(%dma_wait3A_237 : memref<26624x32xf32, #tpu.memory_space<vmem_shared>>)
        tpu.yield
      }) : () -> ()
      %run_scoped3A_226 = arith.constant 0 : i32
      "tpu.region"() ({
        %run_scoped3A_227 = tpu.sem_alloc : memref<!tpu.dma_semaphore, #tpu.memory_space<semaphore_mem>>
        %dma_start3A = arith.constant 0 : i32
        %dma_start3A_228 = tpu.memref_slice %arg10[%run_scoped3A_226, %dma_start3A] : memref<1x128xi32, #tpu.memory_space<vmem>> -> memref<1x128xi32, #tpu.memory_space<vmem>>
        %dma_start3A_229 = tpu.memref_squeeze %dma_start3A_228 : memref<1x128xi32, #tpu.memory_space<vmem>> -> memref<128xi32, #tpu.memory_space<vmem>>
        %dma_start3A_230 = arith.constant 0 : i32
        %dma_start3A_231 = arith.constant 0 : i32
        %dma_start3A_232 = tpu.memref_slice %arg16[%dma_start3A_230, %dma_start3A_231] : memref<26624x1xf32, #tpu.memory_space<vmem_shared>> -> memref<26624x1xf32, #tpu.memory_space<vmem_shared>>
        tpu.enqueue_indirect_dma source(%arg12 : memref<128x1xf32, #tpu.memory_space<vmem>>) target(%dma_start3A_232 : memref<26624x1xf32, #tpu.memory_space<vmem_shared>>) offsets(%dma_start3A_229 : memref<128xi32, #tpu.memory_space<vmem>>) semaphore(%run_scoped3A_227 : memref<!tpu.dma_semaphore, #tpu.memory_space<semaphore_mem>>) {add = true}
        %dma_wait3A = arith.constant 0 : i32
        %dma_wait3A_233 = tpu.memref_slice %arg10[%run_scoped3A_226, %dma_wait3A] : memref<1x128xi32, #tpu.memory_space<vmem>> -> memref<1x128xi32, #tpu.memory_space<vmem>>
        %dma_wait3A_234 = tpu.memref_squeeze %dma_wait3A_233 : memref<1x128xi32, #tpu.memory_space<vmem>> -> memref<128xi32, #tpu.memory_space<vmem>>
        %dma_wait3A_235 = arith.constant 0 : i32
        %dma_wait3A_236 = arith.constant 0 : i32
        %dma_wait3A_237 = tpu.memref_slice %arg16[%dma_wait3A_235, %dma_wait3A_236] : memref<26624x1xf32, #tpu.memory_space<vmem_shared>> -> memref<26624x1xf32, #tpu.memory_space<vmem_shared>>
        tpu.wait_indirect_dma semaphore(%run_scoped3A_227 : memref<!tpu.dma_semaphore, #tpu.memory_space<semaphore_mem>>) src(%arg12 : memref<128x1xf32, #tpu.memory_space<vmem>>) dst(%dma_wait3A_237 : memref<26624x1xf32, #tpu.memory_space<vmem_shared>>)
        tpu.yield
      }) : () -> ()
    }
    %while3A_26 = arith.constant 1 : i32
    scf.for %while3A_44 = %while3A_24 to %while3A_20 step %while3A_26  : i32 {
      %add3A_45 = arith.addi %add3A_17, %while3A_44 : i32
      "tpu.region"() ({
        %run_scoped3A_227 = tpu.sem_alloc : memref<!tpu.dma_semaphore, #tpu.memory_space<semaphore_mem>>
        %dma_start3A = arith.constant 0 : i32
        %dma_start3A_228 = tpu.memref_slice %arg3[%add3A_45, %dma_start3A] : memref<6250x128xi32, #tpu.memory_space<hbm>> -> memref<1x128xi32, #tpu.memory_space<hbm>>
        %dma_start3A_229 = arith.constant 0 : i32
        %dma_start3A_230 = tpu.memref_slice %arg3[%add3A_45, %dma_start3A_229] : memref<6250x128xi32, #tpu.memory_space<hbm>> -> memref<1x128xi32, #tpu.memory_space<hbm>>
        tpu.enqueue_dma source(%dma_start3A_230 : memref<1x128xi32, #tpu.memory_space<hbm>>) target(%arg9 : memref<1x128xi32, #tpu.memory_space<vmem>>) target_semaphore(%run_scoped3A_227 : memref<!tpu.dma_semaphore, #tpu.memory_space<semaphore_mem>>)
        %dma_wait3A = arith.constant 0 : i32
        %dma_wait3A_231 = tpu.memref_slice %arg3[%add3A_45, %dma_wait3A] : memref<6250x128xi32, #tpu.memory_space<hbm>> -> memref<1x128xi32, #tpu.memory_space<hbm>>
        %dma_wait3A_232 = arith.constant 0 : i32
        %dma_wait3A_233 = tpu.memref_slice %arg3[%add3A_45, %dma_wait3A_232] : memref<6250x128xi32, #tpu.memory_space<hbm>> -> memref<1x128xi32, #tpu.memory_space<hbm>>
        tpu.wait_dma2 semaphore(%run_scoped3A_227 : memref<!tpu.dma_semaphore, #tpu.memory_space<semaphore_mem>>) src(%dma_wait3A_233 : memref<1x128xi32, #tpu.memory_space<hbm>>) dst(%arg9 : memref<1x128xi32, #tpu.memory_space<vmem>>)
        tpu.yield
      }) : () -> ()
      %mul3A_46 = arith.constant 128 : i32
      %mul3A_47 = arith.muli %add3A_45, %mul3A_46 : i32
      "tpu.region"() ({
        %run_scoped3A_227 = tpu.sem_alloc : memref<!tpu.dma_semaphore, #tpu.memory_space<semaphore_mem>>
        %dma_start3A = arith.constant 0 : i32
        %dma_start3A_228 = tpu.memref_slice %arg2[%mul3A_47, %dma_start3A] : memref<800000x32xf32, #tpu.memory_space<hbm>> -> memref<128x32xf32, #tpu.memory_space<hbm>>
        %dma_start3A_229 = arith.constant 0 : i32
        %dma_start3A_230 = tpu.memref_slice %arg2[%mul3A_47, %dma_start3A_229] : memref<800000x32xf32, #tpu.memory_space<hbm>> -> memref<128x32xf32, #tpu.memory_space<hbm>>
        tpu.enqueue_dma source(%dma_start3A_230 : memref<128x32xf32, #tpu.memory_space<hbm>>) target(%arg11 : memref<128x32xf32, #tpu.memory_space<vmem>>) target_semaphore(%run_scoped3A_227 : memref<!tpu.dma_semaphore, #tpu.memory_space<semaphore_mem>>)
        %dma_wait3A = arith.constant 0 : i32
        %dma_wait3A_231 = tpu.memref_slice %arg2[%mul3A_47, %dma_wait3A] : memref<800000x32xf32, #tpu.memory_space<hbm>> -> memref<128x32xf32, #tpu.memory_space<hbm>>
        %dma_wait3A_232 = arith.constant 0 : i32
        %dma_wait3A_233 = tpu.memref_slice %arg2[%mul3A_47, %dma_wait3A_232] : memref<800000x32xf32, #tpu.memory_space<hbm>> -> memref<128x32xf32, #tpu.memory_space<hbm>>
        tpu.wait_dma2 semaphore(%run_scoped3A_227 : memref<!tpu.dma_semaphore, #tpu.memory_space<semaphore_mem>>) src(%dma_wait3A_233 : memref<128x32xf32, #tpu.memory_space<hbm>>) dst(%arg11 : memref<128x32xf32, #tpu.memory_space<vmem>>)
        tpu.yield
      }) : () -> ()
      %get3A = arith.constant 0 : i32
      %get3A_48 = arith.index_cast %get3A : i32 to index
      %get3A_49 = arith.constant 0 : index
      %get3A_50 = tpu.vector_load %arg9[%get3A_48, %get3A_49] {strides = array<i32>} : memref<1x128xi32, #tpu.memory_space<vmem>>, vector<1x16xi32>,
      %get3A_51 = vector.shape_cast %get3A_50 : vector<1x16xi32> to vector<16xi32>
      %sub3A = vector.broadcast %mul3A_2 : i32 to vector<16xi32>
      %sub3A_52 = arith.subi %get3A_51, %sub3A : vector<16xi32>
      %ge3A = arith.constant 0 : i32
      %ge3A_53 = vector.broadcast %ge3A : i32 to vector<16xi32>
      %ge3A_54 = arith.cmpi sge, %sub3A_52, %ge3A_53 : vector<16xi32>
      %lt3A_55 = arith.constant 26000 : i32
      %lt3A_56 = vector.broadcast %lt3A_55 : i32 to vector<16xi32>
      %lt3A_57 = arith.cmpi slt, %sub3A_52, %lt3A_56 : vector<16xi32>
      %and3A = arith.andi %ge3A_54, %lt3A_57 : vector<16xi1>
      %jit3A_58 = arith.constant 26016 : i32
      %broadcast_in_dim3A = vector.broadcast %jit3A_58 : i32 to vector<16xi32>
      %select_n3A_59 = arith.select %and3A, %sub3A_52, %broadcast_in_dim3A : vector<16xi1>, vector<16xi32>
      %swap3A = arith.constant 0 : i32
      %swap3A_60 = arith.index_cast %swap3A : i32 to index
      %swap3A_61 = arith.constant 0 : index
      %swap3A_62 = tpu.vector_load %arg10[%swap3A_60, %swap3A_61] {strides = array<i32>} : memref<1x128xi32, #tpu.memory_space<vmem>>, vector<1x16xi32>,
      %swap3A_63 = vector.shape_cast %swap3A_62 : vector<1x16xi32> to vector<16xi32>
      %swap3A_64 = vector.shape_cast %select_n3A_59 : vector<16xi32> to vector<1x16xi32>
      tpu.vector_store %arg10[%swap3A_60, %swap3A_61], %swap3A_64 {strides = array<i32>} : memref<1x128xi32, #tpu.memory_space<vmem>>, vector<1x16xi32>,
      %get3A_65 = arith.constant 0 : i32
      %get3A_66 = arith.index_cast %get3A_65 : i32 to index
      %get3A_67 = arith.constant 16 : index
      %get3A_68 = tpu.vector_load %arg9[%get3A_66, %get3A_67] {strides = array<i32>} : memref<1x128xi32, #tpu.memory_space<vmem>>, vector<1x16xi32>,
      %get3A_69 = vector.shape_cast %get3A_68 : vector<1x16xi32> to vector<16xi32>
      %sub3A_70 = vector.broadcast %mul3A_2 : i32 to vector<16xi32>
      %sub3A_71 = arith.subi %get3A_69, %sub3A_70 : vector<16xi32>
      %ge3A_72 = arith.constant 0 : i32
      %ge3A_73 = vector.broadcast %ge3A_72 : i32 to vector<16xi32>
      %ge3A_74 = arith.cmpi sge, %sub3A_71, %ge3A_73 : vector<16xi32>
      %lt3A_75 = arith.constant 26000 : i32
      %lt3A_76 = vector.broadcast %lt3A_75 : i32 to vector<16xi32>
      %lt3A_77 = arith.cmpi slt, %sub3A_71, %lt3A_76 : vector<16xi32>
      %and3A_78 = arith.andi %ge3A_74, %lt3A_77 : vector<16xi1>
      %jit3A_79 = arith.constant 26016 : i32
      %broadcast_in_dim3A_80 = vector.broadcast %jit3A_79 : i32 to vector<16xi32>
      %select_n3A_81 = arith.select %and3A_78, %sub3A_71, %broadcast_in_dim3A_80 : vector<16xi1>, vector<16xi32>
      %swap3A_82 = arith.constant 0 : i32
      %swap3A_83 = arith.index_cast %swap3A_82 : i32 to index
      %swap3A_84 = arith.constant 16 : index
      %swap3A_85 = tpu.vector_load %arg10[%swap3A_83, %swap3A_84] {strides = array<i32>} : memref<1x128xi32, #tpu.memory_space<vmem>>, vector<1x16xi32>,
      %swap3A_86 = vector.shape_cast %swap3A_85 : vector<1x16xi32> to vector<16xi32>
      %swap3A_87 = vector.shape_cast %select_n3A_81 : vector<16xi32> to vector<1x16xi32>
      tpu.vector_store %arg10[%swap3A_83, %swap3A_84], %swap3A_87 {strides = array<i32>} : memref<1x128xi32, #tpu.memory_space<vmem>>, vector<1x16xi32>,
      %get3A_88 = arith.constant 0 : i32
      %get3A_89 = arith.index_cast %get3A_88 : i32 to index
      %get3A_90 = arith.constant 32 : index
      %get3A_91 = tpu.vector_load %arg9[%get3A_89, %get3A_90] {strides = array<i32>} : memref<1x128xi32, #tpu.memory_space<vmem>>, vector<1x16xi32>,
      %get3A_92 = vector.shape_cast %get3A_91 : vector<1x16xi32> to vector<16xi32>
      %sub3A_93 = vector.broadcast %mul3A_2 : i32 to vector<16xi32>
      %sub3A_94 = arith.subi %get3A_92, %sub3A_93 : vector<16xi32>
      %ge3A_95 = arith.constant 0 : i32
      %ge3A_96 = vector.broadcast %ge3A_95 : i32 to vector<16xi32>
      %ge3A_97 = arith.cmpi sge, %sub3A_94, %ge3A_96 : vector<16xi32>
      %lt3A_98 = arith.constant 26000 : i32
      %lt3A_99 = vector.broadcast %lt3A_98 : i32 to vector<16xi32>
      %lt3A_100 = arith.cmpi slt, %sub3A_94, %lt3A_99 : vector<16xi32>
      %and3A_101 = arith.andi %ge3A_97, %lt3A_100 : vector<16xi1>
      %jit3A_102 = arith.constant 26016 : i32
      %broadcast_in_dim3A_103 = vector.broadcast %jit3A_102 : i32 to vector<16xi32>
      %select_n3A_104 = arith.select %and3A_101, %sub3A_94, %broadcast_in_dim3A_103 : vector<16xi1>, vector<16xi32>
      %swap3A_105 = arith.constant 0 : i32
      %swap3A_106 = arith.index_cast %swap3A_105 : i32 to index
      %swap3A_107 = arith.constant 32 : index
      %swap3A_108 = tpu.vector_load %arg10[%swap3A_106, %swap3A_107] {strides = array<i32>} : memref<1x128xi32, #tpu.memory_space<vmem>>, vector<1x16xi32>,
      %swap3A_109 = vector.shape_cast %swap3A_108 : vector<1x16xi32> to vector<16xi32>
      %swap3A_110 = vector.shape_cast %select_n3A_104 : vector<16xi32> to vector<1x16xi32>
      tpu.vector_store %arg10[%swap3A_106, %swap3A_107], %swap3A_110 {strides = array<i32>} : memref<1x128xi32, #tpu.memory_space<vmem>>, vector<1x16xi32>,
      %get3A_111 = arith.constant 0 : i32
      %get3A_112 = arith.index_cast %get3A_111 : i32 to index
      %get3A_113 = arith.constant 48 : index
      %get3A_114 = tpu.vector_load %arg9[%get3A_112, %get3A_113] {strides = array<i32>} : memref<1x128xi32, #tpu.memory_space<vmem>>, vector<1x16xi32>,
      %get3A_115 = vector.shape_cast %get3A_114 : vector<1x16xi32> to vector<16xi32>
      %sub3A_116 = vector.broadcast %mul3A_2 : i32 to vector<16xi32>
      %sub3A_117 = arith.subi %get3A_115, %sub3A_116 : vector<16xi32>
      %ge3A_118 = arith.constant 0 : i32
      %ge3A_119 = vector.broadcast %ge3A_118 : i32 to vector<16xi32>
      %ge3A_120 = arith.cmpi sge, %sub3A_117, %ge3A_119 : vector<16xi32>
      %lt3A_121 = arith.constant 26000 : i32
      %lt3A_122 = vector.broadcast %lt3A_121 : i32 to vector<16xi32>
      %lt3A_123 = arith.cmpi slt, %sub3A_117, %lt3A_122 : vector<16xi32>
      %and3A_124 = arith.andi %ge3A_120, %lt3A_123 : vector<16xi1>
      %jit3A_125 = arith.constant 26016 : i32
      %broadcast_in_dim3A_126 = vector.broadcast %jit3A_125 : i32 to vector<16xi32>
      %select_n3A_127 = arith.select %and3A_124, %sub3A_117, %broadcast_in_dim3A_126 : vector<16xi1>, vector<16xi32>
      %swap3A_128 = arith.constant 0 : i32
      %swap3A_129 = arith.index_cast %swap3A_128 : i32 to index
      %swap3A_130 = arith.constant 48 : index
      %swap3A_131 = tpu.vector_load %arg10[%swap3A_129, %swap3A_130] {strides = array<i32>} : memref<1x128xi32, #tpu.memory_space<vmem>>, vector<1x16xi32>,
      %swap3A_132 = vector.shape_cast %swap3A_131 : vector<1x16xi32> to vector<16xi32>
      %swap3A_133 = vector.shape_cast %select_n3A_127 : vector<16xi32> to vector<1x16xi32>
      tpu.vector_store %arg10[%swap3A_129, %swap3A_130], %swap3A_133 {strides = array<i32>} : memref<1x128xi32, #tpu.memory_space<vmem>>, vector<1x16xi32>,
      %get3A_134 = arith.constant 0 : i32
      %get3A_135 = arith.index_cast %get3A_134 : i32 to index
      %get3A_136 = arith.constant 64 : index
      %get3A_137 = tpu.vector_load %arg9[%get3A_135, %get3A_136] {strides = array<i32>} : memref<1x128xi32, #tpu.memory_space<vmem>>, vector<1x16xi32>,
      %get3A_138 = vector.shape_cast %get3A_137 : vector<1x16xi32> to vector<16xi32>
      %sub3A_139 = vector.broadcast %mul3A_2 : i32 to vector<16xi32>
      %sub3A_140 = arith.subi %get3A_138, %sub3A_139 : vector<16xi32>
      %ge3A_141 = arith.constant 0 : i32
      %ge3A_142 = vector.broadcast %ge3A_141 : i32 to vector<16xi32>
      %ge3A_143 = arith.cmpi sge, %sub3A_140, %ge3A_142 : vector<16xi32>
      %lt3A_144 = arith.constant 26000 : i32
      %lt3A_145 = vector.broadcast %lt3A_144 : i32 to vector<16xi32>
      %lt3A_146 = arith.cmpi slt, %sub3A_140, %lt3A_145 : vector<16xi32>
      %and3A_147 = arith.andi %ge3A_143, %lt3A_146 : vector<16xi1>
      %jit3A_148 = arith.constant 26016 : i32
      %broadcast_in_dim3A_149 = vector.broadcast %jit3A_148 : i32 to vector<16xi32>
      %select_n3A_150 = arith.select %and3A_147, %sub3A_140, %broadcast_in_dim3A_149 : vector<16xi1>, vector<16xi32>
      %swap3A_151 = arith.constant 0 : i32
      %swap3A_152 = arith.index_cast %swap3A_151 : i32 to index
      %swap3A_153 = arith.constant 64 : index
      %swap3A_154 = tpu.vector_load %arg10[%swap3A_152, %swap3A_153] {strides = array<i32>} : memref<1x128xi32, #tpu.memory_space<vmem>>, vector<1x16xi32>,
      %swap3A_155 = vector.shape_cast %swap3A_154 : vector<1x16xi32> to vector<16xi32>
      %swap3A_156 = vector.shape_cast %select_n3A_150 : vector<16xi32> to vector<1x16xi32>
      tpu.vector_store %arg10[%swap3A_152, %swap3A_153], %swap3A_156 {strides = array<i32>} : memref<1x128xi32, #tpu.memory_space<vmem>>, vector<1x16xi32>,
      %get3A_157 = arith.constant 0 : i32
      %get3A_158 = arith.index_cast %get3A_157 : i32 to index
      %get3A_159 = arith.constant 80 : index
      %get3A_160 = tpu.vector_load %arg9[%get3A_158, %get3A_159] {strides = array<i32>} : memref<1x128xi32, #tpu.memory_space<vmem>>, vector<1x16xi32>,
      %get3A_161 = vector.shape_cast %get3A_160 : vector<1x16xi32> to vector<16xi32>
      %sub3A_162 = vector.broadcast %mul3A_2 : i32 to vector<16xi32>
      %sub3A_163 = arith.subi %get3A_161, %sub3A_162 : vector<16xi32>
      %ge3A_164 = arith.constant 0 : i32
      %ge3A_165 = vector.broadcast %ge3A_164 : i32 to vector<16xi32>
      %ge3A_166 = arith.cmpi sge, %sub3A_163, %ge3A_165 : vector<16xi32>
      %lt3A_167 = arith.constant 26000 : i32
      %lt3A_168 = vector.broadcast %lt3A_167 : i32 to vector<16xi32>
      %lt3A_169 = arith.cmpi slt, %sub3A_163, %lt3A_168 : vector<16xi32>
      %and3A_170 = arith.andi %ge3A_166, %lt3A_169 : vector<16xi1>
      %jit3A_171 = arith.constant 26016 : i32
      %broadcast_in_dim3A_172 = vector.broadcast %jit3A_171 : i32 to vector<16xi32>
      %select_n3A_173 = arith.select %and3A_170, %sub3A_163, %broadcast_in_dim3A_172 : vector<16xi1>, vector<16xi32>
      %swap3A_174 = arith.constant 0 : i32
      %swap3A_175 = arith.index_cast %swap3A_174 : i32 to index
      %swap3A_176 = arith.constant 80 : index
      %swap3A_177 = tpu.vector_load %arg10[%swap3A_175, %swap3A_176] {strides = array<i32>} : memref<1x128xi32, #tpu.memory_space<vmem>>, vector<1x16xi32>,
      %swap3A_178 = vector.shape_cast %swap3A_177 : vector<1x16xi32> to vector<16xi32>
      %swap3A_179 = vector.shape_cast %select_n3A_173 : vector<16xi32> to vector<1x16xi32>
      tpu.vector_store %arg10[%swap3A_175, %swap3A_176], %swap3A_179 {strides = array<i32>} : memref<1x128xi32, #tpu.memory_space<vmem>>, vector<1x16xi32>,
      %get3A_180 = arith.constant 0 : i32
      %get3A_181 = arith.index_cast %get3A_180 : i32 to index
      %get3A_182 = arith.constant 96 : index
      %get3A_183 = tpu.vector_load %arg9[%get3A_181, %get3A_182] {strides = array<i32>} : memref<1x128xi32, #tpu.memory_space<vmem>>, vector<1x16xi32>,
      %get3A_184 = vector.shape_cast %get3A_183 : vector<1x16xi32> to vector<16xi32>
      %sub3A_185 = vector.broadcast %mul3A_2 : i32 to vector<16xi32>
      %sub3A_186 = arith.subi %get3A_184, %sub3A_185 : vector<16xi32>
      %ge3A_187 = arith.constant 0 : i32
      %ge3A_188 = vector.broadcast %ge3A_187 : i32 to vector<16xi32>
      %ge3A_189 = arith.cmpi sge, %sub3A_186, %ge3A_188 : vector<16xi32>
      %lt3A_190 = arith.constant 26000 : i32
      %lt3A_191 = vector.broadcast %lt3A_190 : i32 to vector<16xi32>
      %lt3A_192 = arith.cmpi slt, %sub3A_186, %lt3A_191 : vector<16xi32>
      %and3A_193 = arith.andi %ge3A_189, %lt3A_192 : vector<16xi1>
      %jit3A_194 = arith.constant 26016 : i32
      %broadcast_in_dim3A_195 = vector.broadcast %jit3A_194 : i32 to vector<16xi32>
      %select_n3A_196 = arith.select %and3A_193, %sub3A_186, %broadcast_in_dim3A_195 : vector<16xi1>, vector<16xi32>
      %swap3A_197 = arith.constant 0 : i32
      %swap3A_198 = arith.index_cast %swap3A_197 : i32 to index
      %swap3A_199 = arith.constant 96 : index
      %swap3A_200 = tpu.vector_load %arg10[%swap3A_198, %swap3A_199] {strides = array<i32>} : memref<1x128xi32, #tpu.memory_space<vmem>>, vector<1x16xi32>,
      %swap3A_201 = vector.shape_cast %swap3A_200 : vector<1x16xi32> to vector<16xi32>
      %swap3A_202 = vector.shape_cast %select_n3A_196 : vector<16xi32> to vector<1x16xi32>
      tpu.vector_store %arg10[%swap3A_198, %swap3A_199], %swap3A_202 {strides = array<i32>} : memref<1x128xi32, #tpu.memory_space<vmem>>, vector<1x16xi32>,
      %get3A_203 = arith.constant 0 : i32
      %get3A_204 = arith.index_cast %get3A_203 : i32 to index
      %get3A_205 = arith.constant 112 : index
      %get3A_206 = tpu.vector_load %arg9[%get3A_204, %get3A_205] {strides = array<i32>} : memref<1x128xi32, #tpu.memory_space<vmem>>, vector<1x16xi32>,
      %get3A_207 = vector.shape_cast %get3A_206 : vector<1x16xi32> to vector<16xi32>
      %sub3A_208 = vector.broadcast %mul3A_2 : i32 to vector<16xi32>
      %sub3A_209 = arith.subi %get3A_207, %sub3A_208 : vector<16xi32>
      %ge3A_210 = arith.constant 0 : i32
      %ge3A_211 = vector.broadcast %ge3A_210 : i32 to vector<16xi32>
      %ge3A_212 = arith.cmpi sge, %sub3A_209, %ge3A_211 : vector<16xi32>
      %lt3A_213 = arith.constant 26000 : i32
      %lt3A_214 = vector.broadcast %lt3A_213 : i32 to vector<16xi32>
      %lt3A_215 = arith.cmpi slt, %sub3A_209, %lt3A_214 : vector<16xi32>
      %and3A_216 = arith.andi %ge3A_212, %lt3A_215 : vector<16xi1>
      %jit3A_217 = arith.constant 26016 : i32
      %broadcast_in_dim3A_218 = vector.broadcast %jit3A_217 : i32 to vector<16xi32>
      %select_n3A_219 = arith.select %and3A_216, %sub3A_209, %broadcast_in_dim3A_218 : vector<16xi1>, vector<16xi32>
      %swap3A_220 = arith.constant 0 : i32
      %swap3A_221 = arith.index_cast %swap3A_220 : i32 to index
      %swap3A_222 = arith.constant 112 : index
      %swap3A_223 = tpu.vector_load %arg10[%swap3A_221, %swap3A_222] {strides = array<i32>} : memref<1x128xi32, #tpu.memory_space<vmem>>, vector<1x16xi32>,
      %swap3A_224 = vector.shape_cast %swap3A_223 : vector<1x16xi32> to vector<16xi32>
      %swap3A_225 = vector.shape_cast %select_n3A_219 : vector<16xi32> to vector<1x16xi32>
      tpu.vector_store %arg10[%swap3A_221, %swap3A_222], %swap3A_225 {strides = array<i32>} : memref<1x128xi32, #tpu.memory_space<vmem>>, vector<1x16xi32>,
      %run_scoped3A = arith.constant 0 : i32
      "tpu.region"() ({
        %run_scoped3A_227 = tpu.sem_alloc : memref<!tpu.dma_semaphore, #tpu.memory_space<semaphore_mem>>
        %dma_start3A = arith.constant 0 : i32
        %dma_start3A_228 = tpu.memref_slice %arg10[%run_scoped3A, %dma_start3A] : memref<1x128xi32, #tpu.memory_space<vmem>> -> memref<1x128xi32, #tpu.memory_space<vmem>>
        %dma_start3A_229 = tpu.memref_squeeze %dma_start3A_228 : memref<1x128xi32, #tpu.memory_space<vmem>> -> memref<128xi32, #tpu.memory_space<vmem>>
        %dma_start3A_230 = arith.constant 0 : i32
        %dma_start3A_231 = arith.constant 0 : i32
        %dma_start3A_232 = tpu.memref_slice %arg15[%dma_start3A_230, %dma_start3A_231] : memref<26624x32xf32, #tpu.memory_space<vmem_shared>> -> memref<26624x32xf32, #tpu.memory_space<vmem_shared>>
        tpu.enqueue_indirect_dma source(%arg11 : memref<128x32xf32, #tpu.memory_space<vmem>>) target(%dma_start3A_232 : memref<26624x32xf32, #tpu.memory_space<vmem_shared>>) offsets(%dma_start3A_229 : memref<128xi32, #tpu.memory_space<vmem>>) semaphore(%run_scoped3A_227 : memref<!tpu.dma_semaphore, #tpu.memory_space<semaphore_mem>>) {add = true}
        %dma_wait3A = arith.constant 0 : i32
        %dma_wait3A_233 = tpu.memref_slice %arg10[%run_scoped3A, %dma_wait3A] : memref<1x128xi32, #tpu.memory_space<vmem>> -> memref<1x128xi32, #tpu.memory_space<vmem>>
        %dma_wait3A_234 = tpu.memref_squeeze %dma_wait3A_233 : memref<1x128xi32, #tpu.memory_space<vmem>> -> memref<128xi32, #tpu.memory_space<vmem>>
        %dma_wait3A_235 = arith.constant 0 : i32
        %dma_wait3A_236 = arith.constant 0 : i32
        %dma_wait3A_237 = tpu.memref_slice %arg15[%dma_wait3A_235, %dma_wait3A_236] : memref<26624x32xf32, #tpu.memory_space<vmem_shared>> -> memref<26624x32xf32, #tpu.memory_space<vmem_shared>>
        tpu.wait_indirect_dma semaphore(%run_scoped3A_227 : memref<!tpu.dma_semaphore, #tpu.memory_space<semaphore_mem>>) src(%arg11 : memref<128x32xf32, #tpu.memory_space<vmem>>) dst(%dma_wait3A_237 : memref<26624x32xf32, #tpu.memory_space<vmem_shared>>)
        tpu.yield
      }) : () -> ()
      %run_scoped3A_226 = arith.constant 0 : i32
      "tpu.region"() ({
        %run_scoped3A_227 = tpu.sem_alloc : memref<!tpu.dma_semaphore, #tpu.memory_space<semaphore_mem>>
        %dma_start3A = arith.constant 0 : i32
        %dma_start3A_228 = tpu.memref_slice %arg10[%run_scoped3A_226, %dma_start3A] : memref<1x128xi32, #tpu.memory_space<vmem>> -> memref<1x128xi32, #tpu.memory_space<vmem>>
        %dma_start3A_229 = tpu.memref_squeeze %dma_start3A_228 : memref<1x128xi32, #tpu.memory_space<vmem>> -> memref<128xi32, #tpu.memory_space<vmem>>
        %dma_start3A_230 = arith.constant 0 : i32
        %dma_start3A_231 = arith.constant 0 : i32
        %dma_start3A_232 = tpu.memref_slice %arg16[%dma_start3A_230, %dma_start3A_231] : memref<26624x1xf32, #tpu.memory_space<vmem_shared>> -> memref<26624x1xf32, #tpu.memory_space<vmem_shared>>
        tpu.enqueue_indirect_dma source(%arg12 : memref<128x1xf32, #tpu.memory_space<vmem>>) target(%dma_start3A_232 : memref<26624x1xf32, #tpu.memory_space<vmem_shared>>) offsets(%dma_start3A_229 : memref<128xi32, #tpu.memory_space<vmem>>) semaphore(%run_scoped3A_227 : memref<!tpu.dma_semaphore, #tpu.memory_space<semaphore_mem>>) {add = true}
        %dma_wait3A = arith.constant 0 : i32
        %dma_wait3A_233 = tpu.memref_slice %arg10[%run_scoped3A_226, %dma_wait3A] : memref<1x128xi32, #tpu.memory_space<vmem>> -> memref<1x128xi32, #tpu.memory_space<vmem>>
        %dma_wait3A_234 = tpu.memref_squeeze %dma_wait3A_233 : memref<1x128xi32, #tpu.memory_space<vmem>> -> memref<128xi32, #tpu.memory_space<vmem>>
        %dma_wait3A_235 = arith.constant 0 : i32
        %dma_wait3A_236 = arith.constant 0 : i32
        %dma_wait3A_237 = tpu.memref_slice %arg16[%dma_wait3A_235, %dma_wait3A_236] : memref<26624x1xf32, #tpu.memory_space<vmem_shared>> -> memref<26624x1xf32, #tpu.memory_space<vmem_shared>>
        tpu.wait_indirect_dma semaphore(%run_scoped3A_227 : memref<!tpu.dma_semaphore, #tpu.memory_space<semaphore_mem>>) src(%arg12 : memref<128x1xf32, #tpu.memory_space<vmem>>) dst(%dma_wait3A_237 : memref<26624x1xf32, #tpu.memory_space<vmem_shared>>)
        tpu.yield
      }) : () -> ()
    }
    %barrier3A_27 = arith.constant 0 : index
    tpu.barrier barrier_id(%barrier3A_27)
    %add3A_28 = arith.constant 0 : i32
    %add3A_29 = arith.addi %mul3A_0, %add3A_28 : i32
    "tpu.region"() ({
      %run_scoped3A = tpu.sem_alloc : memref<!tpu.dma_semaphore, #tpu.memory_space<semaphore_mem>>
      %dma_start3A = arith.constant 0 : i32
      %dma_start3A_44 = tpu.memref_slice %arg15[%add3A_29, %dma_start3A] : memref<26624x32xf32, #tpu.memory_space<vmem_shared>> -> memref<832x32xf32, #tpu.memory_space<vmem_shared>>
      %dma_start3A_45 = arith.constant 0 : i32
      %dma_start3A_46 = tpu.memref_slice %arg15[%add3A_29, %dma_start3A_45] : memref<26624x32xf32, #tpu.memory_space<vmem_shared>> -> memref<832x32xf32, #tpu.memory_space<vmem_shared>>
      tpu.enqueue_dma source(%dma_start3A_46 : memref<832x32xf32, #tpu.memory_space<vmem_shared>>) target(%arg13 : memref<832x32xf32, #tpu.memory_space<vmem>>) target_semaphore(%run_scoped3A : memref<!tpu.dma_semaphore, #tpu.memory_space<semaphore_mem>>)
      %dma_wait3A = arith.constant 0 : i32
      %dma_wait3A_47 = tpu.memref_slice %arg15[%add3A_29, %dma_wait3A] : memref<26624x32xf32, #tpu.memory_space<vmem_shared>> -> memref<832x32xf32, #tpu.memory_space<vmem_shared>>
      %dma_wait3A_48 = arith.constant 0 : i32
      %dma_wait3A_49 = tpu.memref_slice %arg15[%add3A_29, %dma_wait3A_48] : memref<26624x32xf32, #tpu.memory_space<vmem_shared>> -> memref<832x32xf32, #tpu.memory_space<vmem_shared>>
      tpu.wait_dma2 semaphore(%run_scoped3A : memref<!tpu.dma_semaphore, #tpu.memory_space<semaphore_mem>>) src(%dma_wait3A_49 : memref<832x32xf32, #tpu.memory_space<vmem_shared>>) dst(%arg13 : memref<832x32xf32, #tpu.memory_space<vmem>>)
      tpu.yield
    }) : () -> ()
    %add3A_30 = arith.constant 0 : i32
    %add3A_31 = arith.addi %mul3A_0, %add3A_30 : i32
    "tpu.region"() ({
      %run_scoped3A = tpu.sem_alloc : memref<!tpu.dma_semaphore, #tpu.memory_space<semaphore_mem>>
      %dma_start3A = arith.constant 0 : i32
      %dma_start3A_44 = tpu.memref_slice %arg7[%arg0, %add3A_31, %dma_start3A] : memref<2x26624x32xf32, #tpu.memory_space<hbm>> -> memref<1x832x32xf32, #tpu.memory_space<hbm>>
      %dma_start3A_45 = tpu.memref_squeeze %dma_start3A_44 : memref<1x832x32xf32, #tpu.memory_space<hbm>> -> memref<832x32xf32, #tpu.memory_space<hbm>>
      %dma_start3A_46 = arith.constant 0 : i32
      %dma_start3A_47 = tpu.memref_slice %arg7[%arg0, %add3A_31, %dma_start3A_46] : memref<2x26624x32xf32, #tpu.memory_space<hbm>> -> memref<1x832x32xf32, #tpu.memory_space<hbm>>
      %dma_start3A_48 = tpu.memref_squeeze %dma_start3A_47 : memref<1x832x32xf32, #tpu.memory_space<hbm>> -> memref<832x32xf32, #tpu.memory_space<hbm>>
      tpu.enqueue_dma source(%arg13 : memref<832x32xf32, #tpu.memory_space<vmem>>) target(%dma_start3A_48 : memref<832x32xf32, #tpu.memory_space<hbm>>) target_semaphore(%run_scoped3A : memref<!tpu.dma_semaphore, #tpu.memory_space<semaphore_mem>>)
      %dma_wait3A = arith.constant 0 : i32
      %dma_wait3A_49 = tpu.memref_slice %arg7[%arg0, %add3A_31, %dma_wait3A] : memref<2x26624x32xf32, #tpu.memory_space<hbm>> -> memref<1x832x32xf32, #tpu.memory_space<hbm>>
      %dma_wait3A_50 = tpu.memref_squeeze %dma_wait3A_49 : memref<1x832x32xf32, #tpu.memory_space<hbm>> -> memref<832x32xf32, #tpu.memory_space<hbm>>
      %dma_wait3A_51 = arith.constant 0 : i32
      %dma_wait3A_52 = tpu.memref_slice %arg7[%arg0, %add3A_31, %dma_wait3A_51] : memref<2x26624x32xf32, #tpu.memory_space<hbm>> -> memref<1x832x32xf32, #tpu.memory_space<hbm>>
      %dma_wait3A_53 = tpu.memref_squeeze %dma_wait3A_52 : memref<1x832x32xf32, #tpu.memory_space<hbm>> -> memref<832x32xf32, #tpu.memory_space<hbm>>
      tpu.wait_dma2 semaphore(%run_scoped3A : memref<!tpu.dma_semaphore, #tpu.memory_space<semaphore_mem>>) src(%arg13 : memref<832x32xf32, #tpu.memory_space<vmem>>) dst(%dma_wait3A_53 : memref<832x32xf32, #tpu.memory_space<hbm>>)
      tpu.yield
    }) : () -> ()
    %add3A_32 = arith.constant 0 : i32
    %add3A_33 = arith.addi %mul3A_0, %add3A_32 : i32
    "tpu.region"() ({
      %run_scoped3A = tpu.sem_alloc : memref<!tpu.dma_semaphore, #tpu.memory_space<semaphore_mem>>
      %dma_start3A = arith.constant 0 : i32
      %dma_start3A_44 = tpu.memref_slice %arg16[%add3A_33, %dma_start3A] : memref<26624x1xf32, #tpu.memory_space<vmem_shared>> -> memref<832x1xf32, #tpu.memory_space<vmem_shared>>
      %dma_start3A_45 = arith.constant 0 : i32
      %dma_start3A_46 = tpu.memref_slice %arg16[%add3A_33, %dma_start3A_45] : memref<26624x1xf32, #tpu.memory_space<vmem_shared>> -> memref<832x1xf32, #tpu.memory_space<vmem_shared>>
      tpu.enqueue_dma source(%dma_start3A_46 : memref<832x1xf32, #tpu.memory_space<vmem_shared>>) target(%arg14 : memref<832x1xf32, #tpu.memory_space<vmem>>) target_semaphore(%run_scoped3A : memref<!tpu.dma_semaphore, #tpu.memory_space<semaphore_mem>>)
      %dma_wait3A = arith.constant 0 : i32
      %dma_wait3A_47 = tpu.memref_slice %arg16[%add3A_33, %dma_wait3A] : memref<26624x1xf32, #tpu.memory_space<vmem_shared>> -> memref<832x1xf32, #tpu.memory_space<vmem_shared>>
      %dma_wait3A_48 = arith.constant 0 : i32
      %dma_wait3A_49 = tpu.memref_slice %arg16[%add3A_33, %dma_wait3A_48] : memref<26624x1xf32, #tpu.memory_space<vmem_shared>> -> memref<832x1xf32, #tpu.memory_space<vmem_shared>>
      tpu.wait_dma2 semaphore(%run_scoped3A : memref<!tpu.dma_semaphore, #tpu.memory_space<semaphore_mem>>) src(%dma_wait3A_49 : memref<832x1xf32, #tpu.memory_space<vmem_shared>>) dst(%arg14 : memref<832x1xf32, #tpu.memory_space<vmem>>)
      tpu.yield
    }) : () -> ()
    %add3A_34 = arith.constant 0 : i32
    %add3A_35 = arith.addi %mul3A_0, %add3A_34 : i32
    "tpu.region"() ({
      %run_scoped3A = tpu.sem_alloc : memref<!tpu.dma_semaphore, #tpu.memory_space<semaphore_mem>>
      %dma_start3A = arith.constant 0 : i32
      %dma_start3A_44 = tpu.memref_slice %arg8[%arg0, %add3A_35, %dma_start3A] : memref<2x26624x1xf32, #tpu.memory_space<hbm>> -> memref<1x832x1xf32, #tpu.memory_space<hbm>>
      %dma_start3A_45 = tpu.memref_squeeze %dma_start3A_44 : memref<1x832x1xf32, #tpu.memory_space<hbm>> -> memref<832x1xf32, #tpu.memory_space<hbm>>
      %dma_start3A_46 = arith.constant 0 : i32
      %dma_start3A_47 = tpu.memref_slice %arg8[%arg0, %add3A_35, %dma_start3A_46] : memref<2x26624x1xf32, #tpu.memory_space<hbm>> -> memref<1x832x1xf32, #tpu.memory_space<hbm>>
      %dma_start3A_48 = tpu.memref_squeeze %dma_start3A_47 : memref<1x832x1xf32, #tpu.memory_space<hbm>> -> memref<832x1xf32, #tpu.memory_space<hbm>>
      tpu.enqueue_dma source(%arg14 : memref<832x1xf32, #tpu.memory_space<vmem>>) target(%dma_start3A_48 : memref<832x1xf32, #tpu.memory_space<hbm>>) target_semaphore(%run_scoped3A : memref<!tpu.dma_semaphore, #tpu.memory_space<semaphore_mem>>)
      %dma_wait3A = arith.constant 0 : i32
      %dma_wait3A_49 = tpu.memref_slice %arg8[%arg0, %add3A_35, %dma_wait3A] : memref<2x26624x1xf32, #tpu.memory_space<hbm>> -> memref<1x832x1xf32, #tpu.memory_space<hbm>>
      %dma_wait3A_50 = tpu.memref_squeeze %dma_wait3A_49 : memref<1x832x1xf32, #tpu.memory_space<hbm>> -> memref<832x1xf32, #tpu.memory_space<hbm>>
      %dma_wait3A_51 = arith.constant 0 : i32
      %dma_wait3A_52 = tpu.memref_slice %arg8[%arg0, %add3A_35, %dma_wait3A_51] : memref<2x26624x1xf32, #tpu.memory_space<hbm>> -> memref<1x832x1xf32, #tpu.memory_space<hbm>>
      %dma_wait3A_53 = tpu.memref_squeeze %dma_wait3A_52 : memref<1x832x1xf32, #tpu.memory_space<hbm>> -> memref<832x1xf32, #tpu.memory_space<hbm>>
      tpu.wait_dma2 semaphore(%run_scoped3A : memref<!tpu.dma_semaphore, #tpu.memory_space<semaphore_mem>>) src(%arg14 : memref<832x1xf32, #tpu.memory_space<vmem>>) dst(%dma_wait3A_53 : memref<832x1xf32, #tpu.memory_space<hbm>>)
      tpu.yield
    }) : () -> ()
    %add3A_36 = arith.constant 832 : i32
    %add3A_37 = arith.addi %mul3A_0, %add3A_36 : i32
    "tpu.region"() ({
      %run_scoped3A = tpu.sem_alloc : memref<!tpu.dma_semaphore, #tpu.memory_space<semaphore_mem>>
      %dma_start3A = arith.constant 0 : i32
      %dma_start3A_44 = tpu.memref_slice %arg15[%add3A_37, %dma_start3A] : memref<26624x32xf32, #tpu.memory_space<vmem_shared>> -> memref<832x32xf32, #tpu.memory_space<vmem_shared>>
      %dma_start3A_45 = arith.constant 0 : i32
      %dma_start3A_46 = tpu.memref_slice %arg15[%add3A_37, %dma_start3A_45] : memref<26624x32xf32, #tpu.memory_space<vmem_shared>> -> memref<832x32xf32, #tpu.memory_space<vmem_shared>>
      tpu.enqueue_dma source(%dma_start3A_46 : memref<832x32xf32, #tpu.memory_space<vmem_shared>>) target(%arg13 : memref<832x32xf32, #tpu.memory_space<vmem>>) target_semaphore(%run_scoped3A : memref<!tpu.dma_semaphore, #tpu.memory_space<semaphore_mem>>)
      %dma_wait3A = arith.constant 0 : i32
      %dma_wait3A_47 = tpu.memref_slice %arg15[%add3A_37, %dma_wait3A] : memref<26624x32xf32, #tpu.memory_space<vmem_shared>> -> memref<832x32xf32, #tpu.memory_space<vmem_shared>>
      %dma_wait3A_48 = arith.constant 0 : i32
      %dma_wait3A_49 = tpu.memref_slice %arg15[%add3A_37, %dma_wait3A_48] : memref<26624x32xf32, #tpu.memory_space<vmem_shared>> -> memref<832x32xf32, #tpu.memory_space<vmem_shared>>
      tpu.wait_dma2 semaphore(%run_scoped3A : memref<!tpu.dma_semaphore, #tpu.memory_space<semaphore_mem>>) src(%dma_wait3A_49 : memref<832x32xf32, #tpu.memory_space<vmem_shared>>) dst(%arg13 : memref<832x32xf32, #tpu.memory_space<vmem>>)
      tpu.yield
    }) : () -> ()
    %add3A_38 = arith.constant 832 : i32
    %add3A_39 = arith.addi %mul3A_0, %add3A_38 : i32
    "tpu.region"() ({
      %run_scoped3A = tpu.sem_alloc : memref<!tpu.dma_semaphore, #tpu.memory_space<semaphore_mem>>
      %dma_start3A = arith.constant 0 : i32
      %dma_start3A_44 = tpu.memref_slice %arg7[%arg0, %add3A_39, %dma_start3A] : memref<2x26624x32xf32, #tpu.memory_space<hbm>> -> memref<1x832x32xf32, #tpu.memory_space<hbm>>
      %dma_start3A_45 = tpu.memref_squeeze %dma_start3A_44 : memref<1x832x32xf32, #tpu.memory_space<hbm>> -> memref<832x32xf32, #tpu.memory_space<hbm>>
      %dma_start3A_46 = arith.constant 0 : i32
      %dma_start3A_47 = tpu.memref_slice %arg7[%arg0, %add3A_39, %dma_start3A_46] : memref<2x26624x32xf32, #tpu.memory_space<hbm>> -> memref<1x832x32xf32, #tpu.memory_space<hbm>>
      %dma_start3A_48 = tpu.memref_squeeze %dma_start3A_47 : memref<1x832x32xf32, #tpu.memory_space<hbm>> -> memref<832x32xf32, #tpu.memory_space<hbm>>
      tpu.enqueue_dma source(%arg13 : memref<832x32xf32, #tpu.memory_space<vmem>>) target(%dma_start3A_48 : memref<832x32xf32, #tpu.memory_space<hbm>>) target_semaphore(%run_scoped3A : memref<!tpu.dma_semaphore, #tpu.memory_space<semaphore_mem>>)
      %dma_wait3A = arith.constant 0 : i32
      %dma_wait3A_49 = tpu.memref_slice %arg7[%arg0, %add3A_39, %dma_wait3A] : memref<2x26624x32xf32, #tpu.memory_space<hbm>> -> memref<1x832x32xf32, #tpu.memory_space<hbm>>
      %dma_wait3A_50 = tpu.memref_squeeze %dma_wait3A_49 : memref<1x832x32xf32, #tpu.memory_space<hbm>> -> memref<832x32xf32, #tpu.memory_space<hbm>>
      %dma_wait3A_51 = arith.constant 0 : i32
      %dma_wait3A_52 = tpu.memref_slice %arg7[%arg0, %add3A_39, %dma_wait3A_51] : memref<2x26624x32xf32, #tpu.memory_space<hbm>> -> memref<1x832x32xf32, #tpu.memory_space<hbm>>
      %dma_wait3A_53 = tpu.memref_squeeze %dma_wait3A_52 : memref<1x832x32xf32, #tpu.memory_space<hbm>> -> memref<832x32xf32, #tpu.memory_space<hbm>>
      tpu.wait_dma2 semaphore(%run_scoped3A : memref<!tpu.dma_semaphore, #tpu.memory_space<semaphore_mem>>) src(%arg13 : memref<832x32xf32, #tpu.memory_space<vmem>>) dst(%dma_wait3A_53 : memref<832x32xf32, #tpu.memory_space<hbm>>)
      tpu.yield
    }) : () -> ()
    %add3A_40 = arith.constant 832 : i32
    %add3A_41 = arith.addi %mul3A_0, %add3A_40 : i32
    "tpu.region"() ({
      %run_scoped3A = tpu.sem_alloc : memref<!tpu.dma_semaphore, #tpu.memory_space<semaphore_mem>>
      %dma_start3A = arith.constant 0 : i32
      %dma_start3A_44 = tpu.memref_slice %arg16[%add3A_41, %dma_start3A] : memref<26624x1xf32, #tpu.memory_space<vmem_shared>> -> memref<832x1xf32, #tpu.memory_space<vmem_shared>>
      %dma_start3A_45 = arith.constant 0 : i32
      %dma_start3A_46 = tpu.memref_slice %arg16[%add3A_41, %dma_start3A_45] : memref<26624x1xf32, #tpu.memory_space<vmem_shared>> -> memref<832x1xf32, #tpu.memory_space<vmem_shared>>
      tpu.enqueue_dma source(%dma_start3A_46 : memref<832x1xf32, #tpu.memory_space<vmem_shared>>) target(%arg14 : memref<832x1xf32, #tpu.memory_space<vmem>>) target_semaphore(%run_scoped3A : memref<!tpu.dma_semaphore, #tpu.memory_space<semaphore_mem>>)
      %dma_wait3A = arith.constant 0 : i32
      %dma_wait3A_47 = tpu.memref_slice %arg16[%add3A_41, %dma_wait3A] : memref<26624x1xf32, #tpu.memory_space<vmem_shared>> -> memref<832x1xf32, #tpu.memory_space<vmem_shared>>
      %dma_wait3A_48 = arith.constant 0 : i32
      %dma_wait3A_49 = tpu.memref_slice %arg16[%add3A_41, %dma_wait3A_48] : memref<26624x1xf32, #tpu.memory_space<vmem_shared>> -> memref<832x1xf32, #tpu.memory_space<vmem_shared>>
      tpu.wait_dma2 semaphore(%run_scoped3A : memref<!tpu.dma_semaphore, #tpu.memory_space<semaphore_mem>>) src(%dma_wait3A_49 : memref<832x1xf32, #tpu.memory_space<vmem_shared>>) dst(%arg14 : memref<832x1xf32, #tpu.memory_space<vmem>>)
      tpu.yield
    }) : () -> ()
    %add3A_42 = arith.constant 832 : i32
    %add3A_43 = arith.addi %mul3A_0, %add3A_42 : i32
    "tpu.region"() ({
      %run_scoped3A = tpu.sem_alloc : memref<!tpu.dma_semaphore, #tpu.memory_space<semaphore_mem>>
      %dma_start3A = arith.constant 0 : i32
      %dma_start3A_44 = tpu.memref_slice %arg8[%arg0, %add3A_43, %dma_start3A] : memref<2x26624x1xf32, #tpu.memory_space<hbm>> -> memref<1x832x1xf32, #tpu.memory_space<hbm>>
      %dma_start3A_45 = tpu.memref_squeeze %dma_start3A_44 : memref<1x832x1xf32, #tpu.memory_space<hbm>> -> memref<832x1xf32, #tpu.memory_space<hbm>>
      %dma_start3A_46 = arith.constant 0 : i32
      %dma_start3A_47 = tpu.memref_slice %arg8[%arg0, %add3A_43, %dma_start3A_46] : memref<2x26624x1xf32, #tpu.memory_space<hbm>> -> memref<1x832x1xf32, #tpu.memory_space<hbm>>
      %dma_start3A_48 = tpu.memref_squeeze %dma_start3A_47 : memref<1x832x1xf32, #tpu.memory_space<hbm>> -> memref<832x1xf32, #tpu.memory_space<hbm>>
      tpu.enqueue_dma source(%arg14 : memref<832x1xf32, #tpu.memory_space<vmem>>) target(%dma_start3A_48 : memref<832x1xf32, #tpu.memory_space<hbm>>) target_semaphore(%run_scoped3A : memref<!tpu.dma_semaphore, #tpu.memory_space<semaphore_mem>>)
      %dma_wait3A = arith.constant 0 : i32
      %dma_wait3A_49 = tpu.memref_slice %arg8[%arg0, %add3A_43, %dma_wait3A] : memref<2x26624x1xf32, #tpu.memory_space<hbm>> -> memref<1x832x1xf32, #tpu.memory_space<hbm>>
      %dma_wait3A_50 = tpu.memref_squeeze %dma_wait3A_49 : memref<1x832x1xf32, #tpu.memory_space<hbm>> -> memref<832x1xf32, #tpu.memory_space<hbm>>
      %dma_wait3A_51 = arith.constant 0 : i32
      %dma_wait3A_52 = tpu.memref_slice %arg8[%arg0, %add3A_43, %dma_wait3A_51] : memref<2x26624x1xf32, #tpu.memory_space<hbm>> -> memref<1x832x1xf32, #tpu.memory_space<hbm>>
      %dma_wait3A_53 = tpu.memref_squeeze %dma_wait3A_52 : memref<1x832x1xf32, #tpu.memory_space<hbm>> -> memref<832x1xf32, #tpu.memory_space<hbm>>
      tpu.wait_dma2 semaphore(%run_scoped3A : memref<!tpu.dma_semaphore, #tpu.memory_space<semaphore_mem>>) src(%arg14 : memref<832x1xf32, #tpu.memory_space<vmem>>) dst(%dma_wait3A_53 : memref<832x1xf32, #tpu.memory_space<hbm>>)
      tpu.yield
    }) : () -> ()
    return
  }
}

module attributes {stable_mosaic.version = 14 : i64} {
  func.func @_starts_body(%arg0: i32, %arg1: memref<2000x1xi32, #tpu.memory_space<vmem>>, %arg2: memref<1x16xi32, #tpu.memory_space<vmem>>) attributes {dimension_semantics = [#tpu.dimension_semantics<arbitrary>], iteration_bounds = array<i64: 25>, scalar_prefetch = 0 : i64, scratch_operands = 0 : i64, tpu.core_type = #tpu.core_type<tc>, window_params = [{transform_indices = @transform_0, window_bounds = array<i64: 2000, 1>}, {pipeline_mode = #tpu.pipeline_mode<synchronous>, transform_indices = @transform_1, window_bounds = array<i64: 1, 16>}]} {
    %eq3A = arith.constant 0 : i32
    %eq3A_0 = arith.cmpi eq, %arg0, %eq3A : i32
    %convert_element_type3A = arith.extui %eq3A_0 : i1 to i32
    %cond3A = arith.constant 0 : i32
    %cond3A_1 = arith.cmpi ne, %convert_element_type3A, %cond3A : i32
    scf.if %cond3A_1 {
      %broadcast_in_dim3A_13 = arith.constant 0 : i32
      %broadcast_in_dim3A_14 = vector.broadcast %broadcast_in_dim3A_13 : i32 to vector<1x16xi32>
      %swap3A_15 = arith.constant 0 : index
      %swap3A_16 = arith.constant 0 : index
      %swap3A_17 = vector.load %arg2[%swap3A_15, %swap3A_16] : memref<1x16xi32, #tpu.memory_space<vmem>>, vector<1x16xi32>
      tpu.vector_store %arg2[%swap3A_15, %swap3A_16], %broadcast_in_dim3A_14 {strides = array<i32>} : memref<1x16xi32, #tpu.memory_space<vmem>>, vector<1x16xi32>,
    } else {
    }
    %get3A = arith.constant 0 : index
    %get3A_2 = arith.constant 0 : index
    %get3A_3 = vector.load %arg1[%get3A, %get3A_2] : memref<2000x1xi32, #tpu.memory_space<vmem>>, vector<2000x1xi32>
    %iota3A = tpu.iota {dimensions = array<i32: 1>} : vector<1x16xi32>
    %lt3A = vector.broadcast %get3A_3 : vector<2000x1xi32> to vector<2000x16xi32>
    %lt3A_4 = vector.broadcast %iota3A : vector<1x16xi32> to vector<2000x16xi32>
    %lt3A_5 = arith.cmpi slt, %lt3A, %lt3A_4 : vector<2000x16xi32>
    %convert_element_type3A_6 = arith.extui %lt3A_5 : vector<2000x16xi1> to vector<2000x16xi32>
    %get3A_7 = arith.constant 0 : index
    %get3A_8 = arith.constant 0 : index
    %get3A_9 = vector.load %arg2[%get3A_7, %get3A_8] : memref<1x16xi32, #tpu.memory_space<vmem>>, vector<1x16xi32>
    %reduce_sum3A = arith.constant dense<0> : vector<16xi32>
    %reduce_sum3A_10 = vector.multi_reduction <add>, %convert_element_type3A_6, %reduce_sum3A [0] : vector<2000x16xi32> to vector<16xi32>
    %broadcast_in_dim3A = vector.shape_cast %reduce_sum3A_10 : vector<16xi32> to vector<1x16xi32>
    %add3A = arith.addi %get3A_9, %broadcast_in_dim3A : vector<1x16xi32>
    %swap3A = arith.constant 0 : index
    %swap3A_11 = arith.constant 0 : index
    %swap3A_12 = vector.load %arg2[%swap3A, %swap3A_11] : memref<1x16xi32, #tpu.memory_space<vmem>>, vector<1x16xi32>
    tpu.vector_store %arg2[%swap3A, %swap3A_11], %add3A {strides = array<i32>} : memref<1x16xi32, #tpu.memory_space<vmem>>, vector<1x16xi32>,
    return
  }
  func.func @transform_0(%arg0: i32) -> (i32, i32) {
    %c0_i32 = arith.constant 0 : i32
    %c0_i32_0 = arith.constant 0 : i32
    return %arg0, %c0_i32 : i32, i32
  }
  func.func @transform_1(%arg0: i32) -> (i32, i32) {
    %c0_i32 = arith.constant 0 : i32
    %c0_i32_0 = arith.constant 0 : i32
    %c0_i32_1 = arith.constant 0 : i32
    return %c0_i32, %c0_i32_0 : i32, i32
  }
}

module attributes {stable_mosaic.version = 14 : i64} {
  func.func @_edge_body(%arg0: i32, %arg1: memref<4000x32xf32, #tpu.memory_space<vmem>>, %arg2: memref<4000x32xf32, #tpu.memory_space<vmem>>, %arg3: memref<4000x32xf32, #tpu.memory_space<vmem>>, %arg4: memref<4000x1xi32, #tpu.memory_space<vmem>>, %arg5: memref<1x16xi32, #tpu.memory_space<vmem>>, %arg6: memref<16x32xf32, #tpu.memory_space<vmem>>, %arg7: memref<128x32xf32, #tpu.memory_space<vmem>>, %arg8: memref<1x32xf32, #tpu.memory_space<vmem>>, %arg9: memref<1x32xf32, #tpu.memory_space<vmem>>, %arg10: memref<1x32xf32, #tpu.memory_space<vmem>>, %arg11: memref<64x32xf32, #tpu.memory_space<vmem>>, %arg12: memref<1x32xf32, #tpu.memory_space<vmem>>, %arg13: memref<4000x32xf32, #tpu.memory_space<vmem>>, %arg14: memref<4000x32xf32, #tpu.memory_space<vmem>>) attributes {dimension_semantics = [#tpu.dimension_semantics<arbitrary>], iteration_bounds = array<i64: 200>, scalar_prefetch = 0 : i64, scratch_operands = 0 : i64, tpu.core_type = #tpu.core_type<tc>, window_params = [{transform_indices = @transform_0, window_bounds = array<i64: 4000, 32>}, {transform_indices = @transform_1, window_bounds = array<i64: 4000, 32>}, {transform_indices = @transform_2, window_bounds = array<i64: 4000, 32>}, {transform_indices = @transform_3, window_bounds = array<i64: 4000, 1>}, {pipeline_mode = #tpu.pipeline_mode<synchronous>, transform_indices = @transform_4, window_bounds = array<i64: 1, 16>}, {pipeline_mode = #tpu.pipeline_mode<synchronous>, transform_indices = @transform_5, window_bounds = array<i64: 16, 32>}, {pipeline_mode = #tpu.pipeline_mode<synchronous>, transform_indices = @transform_6, window_bounds = array<i64: 128, 32>}, {pipeline_mode = #tpu.pipeline_mode<synchronous>, transform_indices = @transform_7, window_bounds = array<i64: 1, 32>}, {pipeline_mode = #tpu.pipeline_mode<synchronous>, transform_indices = @transform_8, window_bounds = array<i64: 1, 32>}, {pipeline_mode = #tpu.pipeline_mode<synchronous>, transform_indices = @transform_9, window_bounds = array<i64: 1, 32>}, {pipeline_mode = #tpu.pipeline_mode<synchronous>, transform_indices = @transform_10, window_bounds = array<i64: 64, 32>}, {pipeline_mode = #tpu.pipeline_mode<synchronous>, transform_indices = @transform_11, window_bounds = array<i64: 1, 32>}, {transform_indices = @transform_12, window_bounds = array<i64: 4000, 32>}, {transform_indices = @transform_13, window_bounds = array<i64: 4000, 32>}]} {
    %get3A = arith.constant 0 : index
    %get3A_0 = arith.constant 0 : index
    %get3A_1 = vector.load %arg1[%get3A, %get3A_0] : memref<4000x32xf32, #tpu.memory_space<vmem>>, vector<4000x32xf32>
    %get3A_2 = arith.constant 0 : index
    %get3A_3 = arith.constant 0 : index
    %get3A_4 = vector.load %arg2[%get3A_2, %get3A_3] : memref<4000x32xf32, #tpu.memory_space<vmem>>, vector<4000x32xf32>
    %get3A_5 = arith.constant 0 : index
    %get3A_6 = arith.constant 0 : index
    %get3A_7 = vector.load %arg3[%get3A_5, %get3A_6] : memref<4000x32xf32, #tpu.memory_space<vmem>>, vector<4000x32xf32>
    %get3A_8 = arith.constant 0 : index
    %get3A_9 = arith.constant 0 : index
    %get3A_10 = vector.load %arg4[%get3A_8, %get3A_9] : memref<4000x1xi32, #tpu.memory_space<vmem>>, vector<4000x1xi32>
    %get3A_11 = arith.constant 0 : index
    %get3A_12 = arith.constant 0 : index
    %get3A_13 = vector.load %arg5[%get3A_11, %get3A_12] : memref<1x16xi32, #tpu.memory_space<vmem>>, vector<1x16xi32>
    %ge3A = vector.broadcast %get3A_10 : vector<4000x1xi32> to vector<4000x16xi32>
    %ge3A_14 = vector.broadcast %get3A_13 : vector<1x16xi32> to vector<4000x16xi32>
    %ge3A_15 = arith.cmpi sge, %ge3A, %ge3A_14 : vector<4000x16xi32>
    %convert_element_type3A = arith.extui %ge3A_15 : vector<4000x16xi1> to vector<4000x16xi32>
    %reduce_sum3A = arith.constant dense<0> : vector<4000xi32>
    %reduce_sum3A_16 = vector.multi_reduction <add>, %convert_element_type3A, %reduce_sum3A [1] : vector<4000x16xi32> to vector<4000xi32>
    %broadcast_in_dim3A = vector.shape_cast %reduce_sum3A_16 : vector<4000xi32> to vector<4000x1xi32>
    %sub3A = arith.constant 1 : i32
    %sub3A_17 = vector.broadcast %sub3A : i32 to vector<4000x1xi32>
    %sub3A_18 = arith.subi %broadcast_in_dim3A, %sub3A_17 : vector<4000x1xi32>
    %iota3A = tpu.iota {dimensions = array<i32: 1>} : vector<1x16xi32>
    %eq3A = vector.broadcast %sub3A_18 : vector<4000x1xi32> to vector<4000x16xi32>
    %eq3A_19 = vector.broadcast %iota3A : vector<1x16xi32> to vector<4000x16xi32>
    %eq3A_20 = arith.cmpi eq, %eq3A, %eq3A_19 : vector<4000x16xi32>
    %convert_element_type3A_21 = arith.extui %eq3A_20 : vector<4000x16xi1> to vector<4000x16xi32>
    %convert_element_type3A_22 = arith.sitofp %convert_element_type3A_21 : vector<4000x16xi32> to vector<4000x16xf32>
    %get3A_23 = arith.constant 0 : index
    %get3A_24 = arith.constant 0 : index
    %get3A_25 = vector.load %arg6[%get3A_23, %get3A_24] : memref<16x32xf32, #tpu.memory_space<vmem>>, vector<16x32xf32>
    %dot_general3A = arith.constant dense<0.000000e+00> : vector<4000x32xf32>
    %dot_general3A_26 = tpu.matmul %convert_element_type3A_22, %get3A_25, %dot_general3A {dimension_numbers = #tpu.dot_dimension_numbers<[1], [0], [0], [1], [0, 0, 1, 1], [], []>, precision = #tpu.contract_precision<fp32>, transpose_lhs_hint = false} : vector<4000x16xf32>, vector<16x32xf32>, vector<4000x32xf32> -> vector<4000x32xf32>
    %concatenate3A = tpu.concatenate %get3A_1, %get3A_4, %get3A_7, %dot_general3A_26 in 1 : vector<4000x32xf32>, vector<4000x32xf32>, vector<4000x32xf32>, vector<4000x32xf32> -> vector<4000x128xf32>
    %get3A_27 = arith.constant 0 : index
    %get3A_28 = arith.constant 0 : index
    %get3A_29 = vector.load %arg7[%get3A_27, %get3A_28] : memref<128x32xf32, #tpu.memory_space<vmem>>, vector<128x32xf32>
    %dot_general3A_30 = arith.constant dense<0.000000e+00> : vector<4000x32xf32>
    %dot_general3A_31 = tpu.matmul %concatenate3A, %get3A_29, %dot_general3A_30 {dimension_numbers = #tpu.dot_dimension_numbers<[1], [0], [0], [1], [0, 0, 1, 1], [], []>, precision = #tpu.contract_precision<fp32>, transpose_lhs_hint = false} : vector<4000x128xf32>, vector<128x32xf32>, vector<4000x32xf32> -> vector<4000x32xf32>
    %get3A_32 = arith.constant 0 : index
    %get3A_33 = arith.constant 0 : index
    %get3A_34 = vector.load %arg8[%get3A_32, %get3A_33] : memref<1x32xf32, #tpu.memory_space<vmem>>, vector<1x32xf32>
    %add3A = vector.broadcast %get3A_34 : vector<1x32xf32> to vector<4000x32xf32>
    %add3A_35 = arith.addf %dot_general3A_31, %add3A : vector<4000x32xf32>
    %mul3A = arith.constant 5.000000e-01 : f32
    %mul3A_36 = vector.broadcast %mul3A : f32 to vector<4000x32xf32>
    %mul3A_37 = arith.mulf %mul3A_36, %add3A_35 : vector<4000x32xf32>
    %mul3A_38 = arith.constant 0.707106769 : f32
    %mul3A_39 = vector.broadcast %mul3A_38 : f32 to vector<4000x32xf32>
    %mul3A_40 = arith.mulf %add3A_35, %mul3A_39 : vector<4000x32xf32>
    %erf3A = math.erf %mul3A_40 : vector<4000x32xf32>
    %add3A_41 = arith.constant 1.000000e+00 : f32
    %add3A_42 = vector.broadcast %add3A_41 : f32 to vector<4000x32xf32>
    %add3A_43 = arith.addf %add3A_42, %erf3A : vector<4000x32xf32>
    %mul3A_44 = arith.mulf %mul3A_37, %add3A_43 : vector<4000x32xf32>
    %add3A_45 = arith.addf %mul3A_44, %get3A_7 : vector<4000x32xf32>
    %get3A_46 = arith.constant 0 : index
    %get3A_47 = arith.constant 0 : index
    %get3A_48 = vector.load %arg9[%get3A_46, %get3A_47] : memref<1x32xf32, #tpu.memory_space<vmem>>, vector<1x32xf32>
    %get3A_49 = arith.constant 0 : index
    %get3A_50 = arith.constant 0 : index
    %get3A_51 = vector.load %arg10[%get3A_49, %get3A_50] : memref<1x32xf32, #tpu.memory_space<vmem>>, vector<1x32xf32>
    %reduce_sum3A_52 = arith.constant dense<0.000000e+00> : vector<4000xf32>
    %reduce_sum3A_53 = vector.multi_reduction <add>, %add3A_45, %reduce_sum3A_52 [1] : vector<4000x32xf32> to vector<4000xf32>
    %broadcast_in_dim3A_54 = vector.shape_cast %reduce_sum3A_53 : vector<4000xf32> to vector<4000x1xf32>
    %div3A = arith.constant 3.200000e+01 : f32
    %div3A_55 = vector.broadcast %div3A : f32 to vector<4000x1xf32>
    %div3A_56 = arith.divf %broadcast_in_dim3A_54, %div3A_55 : vector<4000x1xf32>
    %sub3A_57 = vector.broadcast %div3A_56 : vector<4000x1xf32> to vector<4000x32xf32>
    %sub3A_58 = arith.subf %add3A_45, %sub3A_57 : vector<4000x32xf32>
    %integer_pow3A = arith.mulf %sub3A_58, %sub3A_58 : vector<4000x32xf32>
    %reduce_sum3A_59 = arith.constant dense<0.000000e+00> : vector<4000xf32>
    %reduce_sum3A_60 = vector.multi_reduction <add>, %integer_pow3A, %reduce_sum3A_59 [1] : vector<4000x32xf32> to vector<4000xf32>
    %broadcast_in_dim3A_61 = vector.shape_cast %reduce_sum3A_60 : vector<4000xf32> to vector<4000x1xf32>
    %div3A_62 = arith.constant 3.200000e+01 : f32
    %div3A_63 = vector.broadcast %div3A_62 : f32 to vector<4000x1xf32>
    %div3A_64 = arith.divf %broadcast_in_dim3A_61, %div3A_63 : vector<4000x1xf32>
    %sub3A_65 = vector.broadcast %div3A_56 : vector<4000x1xf32> to vector<4000x32xf32>
    %sub3A_66 = arith.subf %add3A_45, %sub3A_65 : vector<4000x32xf32>
    %add3A_67 = arith.constant 9.99999974E-6 : f32
    %add3A_68 = vector.broadcast %add3A_67 : f32 to vector<4000x1xf32>
    %add3A_69 = arith.addf %div3A_64, %add3A_68 : vector<4000x1xf32>
    %sqrt3A = math.sqrt %add3A_69 : vector<4000x1xf32>
    %div3A_70 = vector.broadcast %sqrt3A : vector<4000x1xf32> to vector<4000x32xf32>
    %div3A_71 = arith.divf %sub3A_66, %div3A_70 : vector<4000x32xf32>
    %mul3A_72 = vector.broadcast %get3A_48 : vector<1x32xf32> to vector<4000x32xf32>
    %mul3A_73 = arith.mulf %div3A_71, %mul3A_72 : vector<4000x32xf32>
    %add3A_74 = vector.broadcast %get3A_51 : vector<1x32xf32> to vector<4000x32xf32>
    %add3A_75 = arith.addf %mul3A_73, %add3A_74 : vector<4000x32xf32>
    %concatenate3A_76 = tpu.concatenate %get3A_4, %add3A_75 in 1 : vector<4000x32xf32>, vector<4000x32xf32> -> vector<4000x64xf32>
    %get3A_77 = arith.constant 0 : index
    %get3A_78 = arith.constant 0 : index
    %get3A_79 = vector.load %arg11[%get3A_77, %get3A_78] : memref<64x32xf32, #tpu.memory_space<vmem>>, vector<64x32xf32>
    %dot_general3A_80 = arith.constant dense<0.000000e+00> : vector<4000x32xf32>
    %dot_general3A_81 = tpu.matmul %concatenate3A_76, %get3A_79, %dot_general3A_80 {dimension_numbers = #tpu.dot_dimension_numbers<[1], [0], [0], [1], [0, 0, 1, 1], [], []>, precision = #tpu.contract_precision<fp32>, transpose_lhs_hint = false} : vector<4000x64xf32>, vector<64x32xf32>, vector<4000x32xf32> -> vector<4000x32xf32>
    %get3A_82 = arith.constant 0 : index
    %get3A_83 = arith.constant 0 : index
    %get3A_84 = vector.load %arg12[%get3A_82, %get3A_83] : memref<1x32xf32, #tpu.memory_space<vmem>>, vector<1x32xf32>
    %add3A_85 = vector.broadcast %get3A_84 : vector<1x32xf32> to vector<4000x32xf32>
    %add3A_86 = arith.addf %dot_general3A_81, %add3A_85 : vector<4000x32xf32>
    %mul3A_87 = arith.constant 5.000000e-01 : f32
    %mul3A_88 = vector.broadcast %mul3A_87 : f32 to vector<4000x32xf32>
    %mul3A_89 = arith.mulf %mul3A_88, %add3A_86 : vector<4000x32xf32>
    %mul3A_90 = arith.constant 0.707106769 : f32
    %mul3A_91 = vector.broadcast %mul3A_90 : f32 to vector<4000x32xf32>
    %mul3A_92 = arith.mulf %add3A_86, %mul3A_91 : vector<4000x32xf32>
    %erf3A_93 = math.erf %mul3A_92 : vector<4000x32xf32>
    %add3A_94 = arith.constant 1.000000e+00 : f32
    %add3A_95 = vector.broadcast %add3A_94 : f32 to vector<4000x32xf32>
    %add3A_96 = arith.addf %add3A_95, %erf3A_93 : vector<4000x32xf32>
    %mul3A_97 = arith.mulf %mul3A_89, %add3A_96 : vector<4000x32xf32>
    %swap3A = arith.constant 0 : index
    %swap3A_98 = arith.constant 0 : index
    %swap3A_99 = vector.load %arg13[%swap3A, %swap3A_98] : memref<4000x32xf32, #tpu.memory_space<vmem>>, vector<4000x32xf32>
    tpu.vector_store %arg13[%swap3A, %swap3A_98], %add3A_75 {strides = array<i32>} : memref<4000x32xf32, #tpu.memory_space<vmem>>, vector<4000x32xf32>,
    %swap3A_100 = arith.constant 0 : index
    %swap3A_101 = arith.constant 0 : index
    %swap3A_102 = vector.load %arg14[%swap3A_100, %swap3A_101] : memref<4000x32xf32, #tpu.memory_space<vmem>>, vector<4000x32xf32>
    tpu.vector_store %arg14[%swap3A_100, %swap3A_101], %mul3A_97 {strides = array<i32>} : memref<4000x32xf32, #tpu.memory_space<vmem>>, vector<4000x32xf32>,
    return
  }
  func.func @transform_0(%arg0: i32) -> (i32, i32) {
    %c0_i32 = arith.constant 0 : i32
    %c0_i32_0 = arith.constant 0 : i32
    return %arg0, %c0_i32 : i32, i32
  }
  func.func @transform_1(%arg0: i32) -> (i32, i32) {
    %c0_i32 = arith.constant 0 : i32
    %c0_i32_0 = arith.constant 0 : i32
    return %arg0, %c0_i32 : i32, i32
  }
  func.func @transform_2(%arg0: i32) -> (i32, i32) {
    %c0_i32 = arith.constant 0 : i32
    %c0_i32_0 = arith.constant 0 : i32
    return %arg0, %c0_i32 : i32, i32
  }
  func.func @transform_3(%arg0: i32) -> (i32, i32) {
    %c0_i32 = arith.constant 0 : i32
    %c0_i32_0 = arith.constant 0 : i32
    return %arg0, %c0_i32 : i32, i32
  }
  func.func @transform_4(%arg0: i32) -> (i32, i32) {
    %c0_i32 = arith.constant 0 : i32
    %c0_i32_0 = arith.constant 0 : i32
    %c0_i32_1 = arith.constant 0 : i32
    return %c0_i32, %c0_i32_0 : i32, i32
  }
  func.func @transform_5(%arg0: i32) -> (i32, i32) {
    %c0_i32 = arith.constant 0 : i32
    %c0_i32_0 = arith.constant 0 : i32
    %c0_i32_1 = arith.constant 0 : i32
    return %c0_i32, %c0_i32_0 : i32, i32
  }
  func.func @transform_6(%arg0: i32) -> (i32, i32) {
    %c0_i32 = arith.constant 0 : i32
    %c0_i32_0 = arith.constant 0 : i32
    %c0_i32_1 = arith.constant 0 : i32
    return %c0_i32, %c0_i32_0 : i32, i32
  }
  func.func @transform_7(%arg0: i32) -> (i32, i32) {
    %c0_i32 = arith.constant 0 : i32
    %c0_i32_0 = arith.constant 0 : i32
    %c0_i32_1 = arith.constant 0 : i32
    return %c0_i32, %c0_i32_0 : i32, i32
  }
  func.func @transform_8(%arg0: i32) -> (i32, i32) {
    %c0_i32 = arith.constant 0 : i32
    %c0_i32_0 = arith.constant 0 : i32
    %c0_i32_1 = arith.constant 0 : i32
    return %c0_i32, %c0_i32_0 : i32, i32
  }
  func.func @transform_9(%arg0: i32) -> (i32, i32) {
    %c0_i32 = arith.constant 0 : i32
    %c0_i32_0 = arith.constant 0 : i32
    %c0_i32_1 = arith.constant 0 : i32
    return %c0_i32, %c0_i32_0 : i32, i32
  }
  func.func @transform_10(%arg0: i32) -> (i32, i32) {
    %c0_i32 = arith.constant 0 : i32
    %c0_i32_0 = arith.constant 0 : i32
    %c0_i32_1 = arith.constant 0 : i32
    return %c0_i32, %c0_i32_0 : i32, i32
  }
  func.func @transform_11(%arg0: i32) -> (i32, i32) {
    %c0_i32 = arith.constant 0 : i32
    %c0_i32_0 = arith.constant 0 : i32
    %c0_i32_1 = arith.constant 0 : i32
    return %c0_i32, %c0_i32_0 : i32, i32
  }
  func.func @transform_12(%arg0: i32) -> (i32, i32) {
    %c0_i32 = arith.constant 0 : i32
    %c0_i32_0 = arith.constant 0 : i32
    return %arg0, %c0_i32 : i32, i32
  }
  func.func @transform_13(%arg0: i32) -> (i32, i32) {
    %c0_i32 = arith.constant 0 : i32
    %c0_i32_0 = arith.constant 0 : i32
    return %arg0, %c0_i32 : i32, i32
  }
}

module attributes {stable_mosaic.version = 14 : i64} {
  func.func @_node_body(%arg0: i32, %arg1: memref<1x2000x32xf32, #tpu.memory_space<vmem>>, %arg2: memref<1x2000x1xf32, #tpu.memory_space<vmem>>, %arg3: memref<2000x32xf32, #tpu.memory_space<vmem>>, %arg4: memref<2000x1xi32, #tpu.memory_space<vmem>>, %arg5: memref<16x32xf32, #tpu.memory_space<vmem>>, %arg6: memref<64x32xf32, #tpu.memory_space<vmem>>, %arg7: memref<1x32xf32, #tpu.memory_space<vmem>>, %arg8: memref<1x32xf32, #tpu.memory_space<vmem>>, %arg9: memref<1x32xf32, #tpu.memory_space<vmem>>, %arg10: memref<64x32xf32, #tpu.memory_space<vmem>>, %arg11: memref<1x32xf32, #tpu.memory_space<vmem>>, %arg12: memref<1x32xf32, #tpu.memory_space<vmem>>, %arg13: memref<1x32xf32, #tpu.memory_space<vmem>>, %arg14: memref<2000x32xf32, #tpu.memory_space<vmem>>, %arg15: memref<16x32xf32, #tpu.memory_space<vmem>>, %arg16: memref<16x32xf32, #tpu.memory_space<vmem>>, %arg17: memref<16x1xf32, #tpu.memory_space<vmem>>) attributes {dimension_semantics = [#tpu.dimension_semantics<arbitrary>], iteration_bounds = array<i64: 25>, scalar_prefetch = 0 : i64, scratch_operands = 2 : i64, tpu.core_type = #tpu.core_type<tc>, window_params = [{transform_indices = @transform_0, window_bounds = array<i64: 1, 2000, 32>}, {transform_indices = @transform_1, window_bounds = array<i64: 1, 2000, 1>}, {transform_indices = @transform_2, window_bounds = array<i64: 2000, 32>}, {transform_indices = @transform_3, window_bounds = array<i64: 2000, 1>}, {pipeline_mode = #tpu.pipeline_mode<synchronous>, transform_indices = @transform_4, window_bounds = array<i64: 16, 32>}, {pipeline_mode = #tpu.pipeline_mode<synchronous>, transform_indices = @transform_5, window_bounds = array<i64: 64, 32>}, {pipeline_mode = #tpu.pipeline_mode<synchronous>, transform_indices = @transform_6, window_bounds = array<i64: 1, 32>}, {pipeline_mode = #tpu.pipeline_mode<synchronous>, transform_indices = @transform_7, window_bounds = array<i64: 1, 32>}, {pipeline_mode = #tpu.pipeline_mode<synchronous>, transform_indices = @transform_8, window_bounds = array<i64: 1, 32>}, {pipeline_mode = #tpu.pipeline_mode<synchronous>, transform_indices = @transform_9, window_bounds = array<i64: 64, 32>}, {pipeline_mode = #tpu.pipeline_mode<synchronous>, transform_indices = @transform_10, window_bounds = array<i64: 1, 32>}, {pipeline_mode = #tpu.pipeline_mode<synchronous>, transform_indices = @transform_11, window_bounds = array<i64: 1, 32>}, {pipeline_mode = #tpu.pipeline_mode<synchronous>, transform_indices = @transform_12, window_bounds = array<i64: 1, 32>}, {transform_indices = @transform_13, window_bounds = array<i64: 2000, 32>}, {pipeline_mode = #tpu.pipeline_mode<synchronous>, transform_indices = @transform_14, window_bounds = array<i64: 16, 32>}]} {
    %eq3A = arith.constant 0 : i32
    %eq3A_0 = arith.cmpi eq, %arg0, %eq3A : i32
    %convert_element_type3A = arith.extui %eq3A_0 : i1 to i32
    %cond3A = arith.constant 0 : i32
    %cond3A_1 = arith.cmpi ne, %convert_element_type3A, %cond3A : i32
    scf.if %cond3A_1 {
      %broadcast_in_dim3A_103 = arith.constant 0.000000e+00 : f32
      %broadcast_in_dim3A_104 = vector.broadcast %broadcast_in_dim3A_103 : f32 to vector<16x32xf32>
      %swap3A_105 = arith.constant 0 : index
      %swap3A_106 = arith.constant 0 : index
      %swap3A_107 = vector.load %arg16[%swap3A_105, %swap3A_106] : memref<16x32xf32, #tpu.memory_space<vmem>>, vector<16x32xf32>
      tpu.vector_store %arg16[%swap3A_105, %swap3A_106], %broadcast_in_dim3A_104 {strides = array<i32>} : memref<16x32xf32, #tpu.memory_space<vmem>>, vector<16x32xf32>,
      %broadcast_in_dim3A_108 = arith.constant 0.000000e+00 : f32
      %broadcast_in_dim3A_109 = vector.broadcast %broadcast_in_dim3A_108 : f32 to vector<16x1xf32>
      %swap3A_110 = arith.constant 0 : index
      %swap3A_111 = arith.constant 0 : index
      %swap3A_112 = vector.load %arg17[%swap3A_110, %swap3A_111] : memref<16x1xf32, #tpu.memory_space<vmem>>, vector<16x1xf32>
      tpu.vector_store %arg17[%swap3A_110, %swap3A_111], %broadcast_in_dim3A_109 {strides = array<i32>} : memref<16x1xf32, #tpu.memory_space<vmem>>, vector<16x1xf32>,
    } else {
    }
    %get3A = arith.constant 0 : index
    %get3A_2 = arith.constant 0 : index
    %get3A_3 = arith.constant 0 : index
    %get3A_4 = vector.load %arg1[%get3A, %get3A_2, %get3A_3] : memref<1x2000x32xf32, #tpu.memory_space<vmem>>, vector<1x2000x32xf32>
    %get3A_5 = vector.shape_cast %get3A_4 : vector<1x2000x32xf32> to vector<2000x32xf32>
    %get3A_6 = arith.constant 0 : index
    %get3A_7 = arith.constant 0 : index
    %get3A_8 = arith.constant 0 : index
    %get3A_9 = vector.load %arg2[%get3A_6, %get3A_7, %get3A_8] : memref<1x2000x1xf32, #tpu.memory_space<vmem>>, vector<1x2000x1xf32>
    %get3A_10 = vector.shape_cast %get3A_9 : vector<1x2000x1xf32> to vector<2000x1xf32>
    %max3A = arith.constant 1.000000e+00 : f32
    %max3A_11 = vector.broadcast %max3A : f32 to vector<2000x1xf32>
    %max3A_12 = arith.maximumf %get3A_10, %max3A_11 : vector<2000x1xf32>
    %div3A = vector.broadcast %max3A_12 : vector<2000x1xf32> to vector<2000x32xf32>
    %div3A_13 = arith.divf %get3A_5, %div3A : vector<2000x32xf32>
    %get3A_14 = arith.constant 0 : index
    %get3A_15 = arith.constant 0 : index
    %get3A_16 = vector.load %arg4[%get3A_14, %get3A_15] : memref<2000x1xi32, #tpu.memory_space<vmem>>, vector<2000x1xi32>
    %iota3A = tpu.iota {dimensions = array<i32: 1>} : vector<1x16xi32>
    %eq3A_17 = vector.broadcast %get3A_16 : vector<2000x1xi32> to vector<2000x16xi32>
    %eq3A_18 = vector.broadcast %iota3A : vector<1x16xi32> to vector<2000x16xi32>
    %eq3A_19 = arith.cmpi eq, %eq3A_17, %eq3A_18 : vector<2000x16xi32>
    %convert_element_type3A_20 = arith.extui %eq3A_19 : vector<2000x16xi1> to vector<2000x16xi32>
    %convert_element_type3A_21 = arith.sitofp %convert_element_type3A_20 : vector<2000x16xi32> to vector<2000x16xf32>
    %get3A_22 = arith.constant 0 : index
    %get3A_23 = arith.constant 0 : index
    %get3A_24 = vector.load %arg5[%get3A_22, %get3A_23] : memref<16x32xf32, #tpu.memory_space<vmem>>, vector<16x32xf32>
    %dot_general3A = arith.constant dense<0.000000e+00> : vector<2000x32xf32>
    %dot_general3A_25 = tpu.matmul %convert_element_type3A_21, %get3A_24, %dot_general3A {dimension_numbers = #tpu.dot_dimension_numbers<[1], [0], [0], [1], [0, 0, 1, 1], [], []>, precision = #tpu.contract_precision<fp32>, transpose_lhs_hint = false} : vector<2000x16xf32>, vector<16x32xf32>, vector<2000x32xf32> -> vector<2000x32xf32>
    %concatenate3A = tpu.concatenate %div3A_13, %dot_general3A_25 in 1 : vector<2000x32xf32>, vector<2000x32xf32> -> vector<2000x64xf32>
    %get3A_26 = arith.constant 0 : index
    %get3A_27 = arith.constant 0 : index
    %get3A_28 = vector.load %arg6[%get3A_26, %get3A_27] : memref<64x32xf32, #tpu.memory_space<vmem>>, vector<64x32xf32>
    %dot_general3A_29 = arith.constant dense<0.000000e+00> : vector<2000x32xf32>
    %dot_general3A_30 = tpu.matmul %concatenate3A, %get3A_28, %dot_general3A_29 {dimension_numbers = #tpu.dot_dimension_numbers<[1], [0], [0], [1], [0, 0, 1, 1], [], []>, precision = #tpu.contract_precision<fp32>, transpose_lhs_hint = false} : vector<2000x64xf32>, vector<64x32xf32>, vector<2000x32xf32> -> vector<2000x32xf32>
    %get3A_31 = arith.constant 0 : index
    %get3A_32 = arith.constant 0 : index
    %get3A_33 = vector.load %arg7[%get3A_31, %get3A_32] : memref<1x32xf32, #tpu.memory_space<vmem>>, vector<1x32xf32>
    %add3A = vector.broadcast %get3A_33 : vector<1x32xf32> to vector<2000x32xf32>
    %add3A_34 = arith.addf %dot_general3A_30, %add3A : vector<2000x32xf32>
    %mul3A = arith.constant 5.000000e-01 : f32
    %mul3A_35 = vector.broadcast %mul3A : f32 to vector<2000x32xf32>
    %mul3A_36 = arith.mulf %mul3A_35, %add3A_34 : vector<2000x32xf32>
    %mul3A_37 = arith.constant 0.707106769 : f32
    %mul3A_38 = vector.broadcast %mul3A_37 : f32 to vector<2000x32xf32>
    %mul3A_39 = arith.mulf %add3A_34, %mul3A_38 : vector<2000x32xf32>
    %erf3A = math.erf %mul3A_39 : vector<2000x32xf32>
    %add3A_40 = arith.constant 1.000000e+00 : f32
    %add3A_41 = vector.broadcast %add3A_40 : f32 to vector<2000x32xf32>
    %add3A_42 = arith.addf %add3A_41, %erf3A : vector<2000x32xf32>
    %mul3A_43 = arith.mulf %mul3A_36, %add3A_42 : vector<2000x32xf32>
    %get3A_44 = arith.constant 0 : index
    %get3A_45 = arith.constant 0 : index
    %get3A_46 = vector.load %arg3[%get3A_44, %get3A_45] : memref<2000x32xf32, #tpu.memory_space<vmem>>, vector<2000x32xf32>
    %add3A_47 = arith.addf %mul3A_43, %get3A_46 : vector<2000x32xf32>
    %get3A_48 = arith.constant 0 : index
    %get3A_49 = arith.constant 0 : index
    %get3A_50 = vector.load %arg8[%get3A_48, %get3A_49] : memref<1x32xf32, #tpu.memory_space<vmem>>, vector<1x32xf32>
    %get3A_51 = arith.constant 0 : index
    %get3A_52 = arith.constant 0 : index
    %get3A_53 = vector.load %arg9[%get3A_51, %get3A_52] : memref<1x32xf32, #tpu.memory_space<vmem>>, vector<1x32xf32>
    %reduce_sum3A = arith.constant dense<0.000000e+00> : vector<2000xf32>
    %reduce_sum3A_54 = vector.multi_reduction <add>, %add3A_47, %reduce_sum3A [1] : vector<2000x32xf32> to vector<2000xf32>
    %broadcast_in_dim3A = vector.shape_cast %reduce_sum3A_54 : vector<2000xf32> to vector<2000x1xf32>
    %div3A_55 = arith.constant 3.200000e+01 : f32
    %div3A_56 = vector.broadcast %div3A_55 : f32 to vector<2000x1xf32>
    %div3A_57 = arith.divf %broadcast_in_dim3A, %div3A_56 : vector<2000x1xf32>
    %sub3A = vector.broadcast %div3A_57 : vector<2000x1xf32> to vector<2000x32xf32>
    %sub3A_58 = arith.subf %add3A_47, %sub3A : vector<2000x32xf32>
    %integer_pow3A = arith.mulf %sub3A_58, %sub3A_58 : vector<2000x32xf32>
    %reduce_sum3A_59 = arith.constant dense<0.000000e+00> : vector<2000xf32>
    %reduce_sum3A_60 = vector.multi_reduction <add>, %integer_pow3A, %reduce_sum3A_59 [1] : vector<2000x32xf32> to vector<2000xf32>
    %broadcast_in_dim3A_61 = vector.shape_cast %reduce_sum3A_60 : vector<2000xf32> to vector<2000x1xf32>
    %div3A_62 = arith.constant 3.200000e+01 : f32
    %div3A_63 = vector.broadcast %div3A_62 : f32 to vector<2000x1xf32>
    %div3A_64 = arith.divf %broadcast_in_dim3A_61, %div3A_63 : vector<2000x1xf32>
    %sub3A_65 = vector.broadcast %div3A_57 : vector<2000x1xf32> to vector<2000x32xf32>
    %sub3A_66 = arith.subf %add3A_47, %sub3A_65 : vector<2000x32xf32>
    %add3A_67 = arith.constant 9.99999974E-6 : f32
    %add3A_68 = vector.broadcast %add3A_67 : f32 to vector<2000x1xf32>
    %add3A_69 = arith.addf %div3A_64, %add3A_68 : vector<2000x1xf32>
    %sqrt3A = math.sqrt %add3A_69 : vector<2000x1xf32>
    %div3A_70 = vector.broadcast %sqrt3A : vector<2000x1xf32> to vector<2000x32xf32>
    %div3A_71 = arith.divf %sub3A_66, %div3A_70 : vector<2000x32xf32>
    %mul3A_72 = vector.broadcast %get3A_50 : vector<1x32xf32> to vector<2000x32xf32>
    %mul3A_73 = arith.mulf %div3A_71, %mul3A_72 : vector<2000x32xf32>
    %add3A_74 = vector.broadcast %get3A_53 : vector<1x32xf32> to vector<2000x32xf32>
    %add3A_75 = arith.addf %mul3A_73, %add3A_74 : vector<2000x32xf32>
    %swap3A = arith.constant 0 : index
    %swap3A_76 = arith.constant 0 : index
    %swap3A_77 = vector.load %arg14[%swap3A, %swap3A_76] : memref<2000x32xf32, #tpu.memory_space<vmem>>, vector<2000x32xf32>
    tpu.vector_store %arg14[%swap3A, %swap3A_76], %add3A_75 {strides = array<i32>} : memref<2000x32xf32, #tpu.memory_space<vmem>>, vector<2000x32xf32>,
    %get3A_78 = arith.constant 0 : index
    %get3A_79 = arith.constant 0 : index
    %get3A_80 = vector.load %arg16[%get3A_78, %get3A_79] : memref<16x32xf32, #tpu.memory_space<vmem>>, vector<16x32xf32>
    %dot_general3A_81 = arith.constant dense<0.000000e+00> : vector<16x32xf32>
    %dot_general3A_82 = tpu.matmul %convert_element_type3A_21, %add3A_75, %dot_general3A_81 {dimension_numbers = #tpu.dot_dimension_numbers<[0], [0], [1], [1], [0, 1, 1, 1], [], []>, precision = #tpu.contract_precision<fp32>, transpose_lhs_hint = false} : vector<2000x16xf32>, vector<2000x32xf32>, vector<16x32xf32> -> vector<16x32xf32>
    %add3A_83 = arith.addf %get3A_80, %dot_general3A_82 : vector<16x32xf32>
    %swap3A_84 = arith.constant 0 : index
    %swap3A_85 = arith.constant 0 : index
    %swap3A_86 = vector.load %arg16[%swap3A_84, %swap3A_85] : memref<16x32xf32, #tpu.memory_space<vmem>>, vector<16x32xf32>
    tpu.vector_store %arg16[%swap3A_84, %swap3A_85], %add3A_83 {strides = array<i32>} : memref<16x32xf32, #tpu.memory_space<vmem>>, vector<16x32xf32>,
    %get3A_87 = arith.constant 0 : index
    %get3A_88 = arith.constant 0 : index
    %get3A_89 = vector.load %arg17[%get3A_87, %get3A_88] : memref<16x1xf32, #tpu.memory_space<vmem>>, vector<16x1xf32>
    %broadcast_in_dim3A_90 = arith.constant 1.000000e+00 : f32
    %broadcast_in_dim3A_91 = vector.broadcast %broadcast_in_dim3A_90 : f32 to vector<2000x1xf32>
    %dot_general3A_92 = arith.constant dense<0.000000e+00> : vector<16x1xf32>
    %dot_general3A_93 = tpu.matmul %convert_element_type3A_21, %broadcast_in_dim3A_91, %dot_general3A_92 {dimension_numbers = #tpu.dot_dimension_numbers<[0], [0], [1], [1], [0, 1, 1, 1], [], []>, precision = #tpu.contract_precision<fp32>, transpose_lhs_hint = false} : vector<2000x16xf32>, vector<2000x1xf32>, vector<16x1xf32> -> vector<16x1xf32>
    %add3A_94 = arith.addf %get3A_89, %dot_general3A_93 : vector<16x1xf32>
    %swap3A_95 = arith.constant 0 : index
    %swap3A_96 = arith.constant 0 : index
    %swap3A_97 = vector.load %arg17[%swap3A_95, %swap3A_96] : memref<16x1xf32, #tpu.memory_space<vmem>>, vector<16x1xf32>
    tpu.vector_store %arg17[%swap3A_95, %swap3A_96], %add3A_94 {strides = array<i32>} : memref<16x1xf32, #tpu.memory_space<vmem>>, vector<16x1xf32>,
    %eq3A_98 = arith.constant 24 : i32
    %eq3A_99 = arith.cmpi eq, %arg0, %eq3A_98 : i32
    %convert_element_type3A_100 = arith.extui %eq3A_99 : i1 to i32
    %cond3A_101 = arith.constant 0 : i32
    %cond3A_102 = arith.cmpi ne, %convert_element_type3A_100, %cond3A_101 : i32
    scf.if %cond3A_102 {
      %get3A_103 = arith.constant 0 : index
      %get3A_104 = arith.constant 0 : index
      %get3A_105 = vector.load %arg5[%get3A_103, %get3A_104] : memref<16x32xf32, #tpu.memory_space<vmem>>, vector<16x32xf32>
      %get3A_106 = arith.constant 0 : index
      %get3A_107 = arith.constant 0 : index
      %get3A_108 = vector.load %arg16[%get3A_106, %get3A_107] : memref<16x32xf32, #tpu.memory_space<vmem>>, vector<16x32xf32>
      %get3A_109 = arith.constant 0 : index
      %get3A_110 = arith.constant 0 : index
      %get3A_111 = vector.load %arg17[%get3A_109, %get3A_110] : memref<16x1xf32, #tpu.memory_space<vmem>>, vector<16x1xf32>
      %max3A_112 = arith.constant 1.000000e+00 : f32
      %max3A_113 = vector.broadcast %max3A_112 : f32 to vector<16x1xf32>
      %max3A_114 = arith.maximumf %get3A_111, %max3A_113 : vector<16x1xf32>
      %div3A_115 = vector.broadcast %max3A_114 : vector<16x1xf32> to vector<16x32xf32>
      %div3A_116 = arith.divf %get3A_108, %div3A_115 : vector<16x32xf32>
      %concatenate3A_117 = tpu.concatenate %get3A_105, %div3A_116 in 1 : vector<16x32xf32>, vector<16x32xf32> -> vector<16x64xf32>
      %get3A_118 = arith.constant 0 : index
      %get3A_119 = arith.constant 0 : index
      %get3A_120 = vector.load %arg10[%get3A_118, %get3A_119] : memref<64x32xf32, #tpu.memory_space<vmem>>, vector<64x32xf32>
      %dot_general3A_121 = arith.constant dense<0.000000e+00> : vector<16x32xf32>
      %dot_general3A_122 = tpu.matmul %concatenate3A_117, %get3A_120, %dot_general3A_121 {dimension_numbers = #tpu.dot_dimension_numbers<[1], [0], [0], [1], [0, 0, 1, 1], [], []>, precision = #tpu.contract_precision<fp32>, transpose_lhs_hint = false} : vector<16x64xf32>, vector<64x32xf32>, vector<16x32xf32> -> vector<16x32xf32>
      %get3A_123 = arith.constant 0 : index
      %get3A_124 = arith.constant 0 : index
      %get3A_125 = vector.load %arg11[%get3A_123, %get3A_124] : memref<1x32xf32, #tpu.memory_space<vmem>>, vector<1x32xf32>
      %add3A_126 = vector.broadcast %get3A_125 : vector<1x32xf32> to vector<16x32xf32>
      %add3A_127 = arith.addf %dot_general3A_122, %add3A_126 : vector<16x32xf32>
      %mul3A_128 = arith.constant 5.000000e-01 : f32
      %mul3A_129 = vector.broadcast %mul3A_128 : f32 to vector<16x32xf32>
      %mul3A_130 = arith.mulf %mul3A_129, %add3A_127 : vector<16x32xf32>
      %mul3A_131 = arith.constant 0.707106769 : f32
      %mul3A_132 = vector.broadcast %mul3A_131 : f32 to vector<16x32xf32>
      %mul3A_133 = arith.mulf %add3A_127, %mul3A_132 : vector<16x32xf32>
      %erf3A_134 = math.erf %mul3A_133 : vector<16x32xf32>
      %add3A_135 = arith.constant 1.000000e+00 : f32
      %add3A_136 = vector.broadcast %add3A_135 : f32 to vector<16x32xf32>
      %add3A_137 = arith.addf %add3A_136, %erf3A_134 : vector<16x32xf32>
      %mul3A_138 = arith.mulf %mul3A_130, %add3A_137 : vector<16x32xf32>
      %add3A_139 = arith.addf %mul3A_138, %get3A_105 : vector<16x32xf32>
      %get3A_140 = arith.constant 0 : index
      %get3A_141 = arith.constant 0 : index
      %get3A_142 = vector.load %arg12[%get3A_140, %get3A_141] : memref<1x32xf32, #tpu.memory_space<vmem>>, vector<1x32xf32>
      %get3A_143 = arith.constant 0 : index
      %get3A_144 = arith.constant 0 : index
      %get3A_145 = vector.load %arg13[%get3A_143, %get3A_144] : memref<1x32xf32, #tpu.memory_space<vmem>>, vector<1x32xf32>
      %reduce_sum3A_146 = arith.constant dense<0.000000e+00> : vector<16xf32>
      %reduce_sum3A_147 = vector.multi_reduction <add>, %add3A_139, %reduce_sum3A_146 [1] : vector<16x32xf32> to vector<16xf32>
      %broadcast_in_dim3A_148 = vector.shape_cast %reduce_sum3A_147 : vector<16xf32> to vector<16x1xf32>
      %div3A_149 = arith.constant 3.200000e+01 : f32
      %div3A_150 = vector.broadcast %div3A_149 : f32 to vector<16x1xf32>
      %div3A_151 = arith.divf %broadcast_in_dim3A_148, %div3A_150 : vector<16x1xf32>
      %sub3A_152 = vector.broadcast %div3A_151 : vector<16x1xf32> to vector<16x32xf32>
      %sub3A_153 = arith.subf %add3A_139, %sub3A_152 : vector<16x32xf32>
      %integer_pow3A_154 = arith.mulf %sub3A_153, %sub3A_153 : vector<16x32xf32>
      %reduce_sum3A_155 = arith.constant dense<0.000000e+00> : vector<16xf32>
      %reduce_sum3A_156 = vector.multi_reduction <add>, %integer_pow3A_154, %reduce_sum3A_155 [1] : vector<16x32xf32> to vector<16xf32>
      %broadcast_in_dim3A_157 = vector.shape_cast %reduce_sum3A_156 : vector<16xf32> to vector<16x1xf32>
      %div3A_158 = arith.constant 3.200000e+01 : f32
      %div3A_159 = vector.broadcast %div3A_158 : f32 to vector<16x1xf32>
      %div3A_160 = arith.divf %broadcast_in_dim3A_157, %div3A_159 : vector<16x1xf32>
      %sub3A_161 = vector.broadcast %div3A_151 : vector<16x1xf32> to vector<16x32xf32>
      %sub3A_162 = arith.subf %add3A_139, %sub3A_161 : vector<16x32xf32>
      %add3A_163 = arith.constant 9.99999974E-6 : f32
      %add3A_164 = vector.broadcast %add3A_163 : f32 to vector<16x1xf32>
      %add3A_165 = arith.addf %div3A_160, %add3A_164 : vector<16x1xf32>
      %sqrt3A_166 = math.sqrt %add3A_165 : vector<16x1xf32>
      %div3A_167 = vector.broadcast %sqrt3A_166 : vector<16x1xf32> to vector<16x32xf32>
      %div3A_168 = arith.divf %sub3A_162, %div3A_167 : vector<16x32xf32>
      %mul3A_169 = vector.broadcast %get3A_142 : vector<1x32xf32> to vector<16x32xf32>
      %mul3A_170 = arith.mulf %div3A_168, %mul3A_169 : vector<16x32xf32>
      %add3A_171 = vector.broadcast %get3A_145 : vector<1x32xf32> to vector<16x32xf32>
      %add3A_172 = arith.addf %mul3A_170, %add3A_171 : vector<16x32xf32>
      %swap3A_173 = arith.constant 0 : index
      %swap3A_174 = arith.constant 0 : index
      %swap3A_175 = vector.load %arg15[%swap3A_173, %swap3A_174] : memref<16x32xf32, #tpu.memory_space<vmem>>, vector<16x32xf32>
      tpu.vector_store %arg15[%swap3A_173, %swap3A_174], %add3A_172 {strides = array<i32>} : memref<16x32xf32, #tpu.memory_space<vmem>>, vector<16x32xf32>,
    } else {
    }
    return
  }
  func.func @transform_0(%arg0: i32) -> (i32, i32, i32) {
    %jit3A = arith.constant 13 : i32
    %div3A = arith.divsi %arg0, %jit3A : i32
    %sign3A = arith.constant 0 : i32
    %sign3A_0 = arith.cmpi sgt, %arg0, %sign3A : i32
    %sign3A_1 = arith.extui %sign3A_0 : i1 to i32
    %sign3A_2 = arith.constant 0 : i32
    %sign3A_3 = arith.cmpi slt, %arg0, %sign3A_2 : i32
    %sign3A_4 = arith.extui %sign3A_3 : i1 to i32
    %sign3A_5 = arith.subi %sign3A_1, %sign3A_4 : i32
    %sign3A_6 = arith.constant 0 : i32
    %sign3A_7 = arith.cmpi sgt, %jit3A, %sign3A_6 : i32
    %sign3A_8 = arith.extui %sign3A_7 : i1 to i32
    %sign3A_9 = arith.constant 0 : i32
    %sign3A_10 = arith.cmpi slt, %jit3A, %sign3A_9 : i32
    %sign3A_11 = arith.extui %sign3A_10 : i1 to i32
    %sign3A_12 = arith.subi %sign3A_8, %sign3A_11 : i32
    %ne3A = arith.cmpi ne, %sign3A_5, %sign3A_12 : i32
    %rem3A = arith.remsi %arg0, %jit3A : i32
    %ne3A_13 = arith.constant 0 : i32
    %ne3A_14 = arith.cmpi ne, %rem3A, %ne3A_13 : i32
    %and3A = arith.andi %ne3A, %ne3A_14 : i1
    %sub3A = arith.constant 1 : i32
    %sub3A_15 = arith.subi %div3A, %sub3A : i32
    %select_n3A = arith.select %and3A, %sub3A_15, %div3A : i32
    %jit3A_16 = arith.constant 13 : i32
    %div3A_17 = arith.divsi %arg0, %jit3A_16 : i32
    %sign3A_18 = arith.constant 0 : i32
    %sign3A_19 = arith.cmpi sgt, %arg0, %sign3A_18 : i32
    %sign3A_20 = arith.extui %sign3A_19 : i1 to i32
    %sign3A_21 = arith.constant 0 : i32
    %sign3A_22 = arith.cmpi slt, %arg0, %sign3A_21 : i32
    %sign3A_23 = arith.extui %sign3A_22 : i1 to i32
    %sign3A_24 = arith.subi %sign3A_20, %sign3A_23 : i32
    %sign3A_25 = arith.constant 0 : i32
    %sign3A_26 = arith.cmpi sgt, %jit3A_16, %sign3A_25 : i32
    %sign3A_27 = arith.extui %sign3A_26 : i1 to i32
    %sign3A_28 = arith.constant 0 : i32
    %sign3A_29 = arith.cmpi slt, %jit3A_16, %sign3A_28 : i32
    %sign3A_30 = arith.extui %sign3A_29 : i1 to i32
    %sign3A_31 = arith.subi %sign3A_27, %sign3A_30 : i32
    %ne3A_32 = arith.cmpi ne, %sign3A_24, %sign3A_31 : i32
    %rem3A_33 = arith.remsi %arg0, %jit3A_16 : i32
    %ne3A_34 = arith.constant 0 : i32
    %ne3A_35 = arith.cmpi ne, %rem3A_33, %ne3A_34 : i32
    %and3A_36 = arith.andi %ne3A_32, %ne3A_35 : i1
    %sub3A_37 = arith.constant 1 : i32
    %sub3A_38 = arith.subi %div3A_17, %sub3A_37 : i32
    %select_n3A_39 = arith.select %and3A_36, %sub3A_38, %div3A_17 : i32
    %mul3A = arith.constant 13 : i32
    %mul3A_40 = arith.muli %mul3A, %select_n3A_39 : i32
    %sub3A_41 = arith.subi %arg0, %mul3A_40 : i32
    %c0_i32 = arith.constant 0 : i32
    %c0_i32_42 = arith.constant 0 : i32
    return %select_n3A, %sub3A_41, %c0_i32 : i32, i32, i32
  }
  func.func @transform_1(%arg0: i32) -> (i32, i32, i32) {
    %jit3A = arith.constant 13 : i32
    %div3A = arith.divsi %arg0, %jit3A : i32
    %sign3A = arith.constant 0 : i32
    %sign3A_0 = arith.cmpi sgt, %arg0, %sign3A : i32
    %sign3A_1 = arith.extui %sign3A_0 : i1 to i32
    %sign3A_2 = arith.constant 0 : i32
    %sign3A_3 = arith.cmpi slt, %arg0, %sign3A_2 : i32
    %sign3A_4 = arith.extui %sign3A_3 : i1 to i32
    %sign3A_5 = arith.subi %sign3A_1, %sign3A_4 : i32
    %sign3A_6 = arith.constant 0 : i32
    %sign3A_7 = arith.cmpi sgt, %jit3A, %sign3A_6 : i32
    %sign3A_8 = arith.extui %sign3A_7 : i1 to i32
    %sign3A_9 = arith.constant 0 : i32
    %sign3A_10 = arith.cmpi slt, %jit3A, %sign3A_9 : i32
    %sign3A_11 = arith.extui %sign3A_10 : i1 to i32
    %sign3A_12 = arith.subi %sign3A_8, %sign3A_11 : i32
    %ne3A = arith.cmpi ne, %sign3A_5, %sign3A_12 : i32
    %rem3A = arith.remsi %arg0, %jit3A : i32
    %ne3A_13 = arith.constant 0 : i32
    %ne3A_14 = arith.cmpi ne, %rem3A, %ne3A_13 : i32
    %and3A = arith.andi %ne3A, %ne3A_14 : i1
    %sub3A = arith.constant 1 : i32
    %sub3A_15 = arith.subi %div3A, %sub3A : i32
    %select_n3A = arith.select %and3A, %sub3A_15, %div3A : i32
    %jit3A_16 = arith.constant 13 : i32
    %div3A_17 = arith.divsi %arg0, %jit3A_16 : i32
    %sign3A_18 = arith.constant 0 : i32
    %sign3A_19 = arith.cmpi sgt, %arg0, %sign3A_18 : i32
    %sign3A_20 = arith.extui %sign3A_19 : i1 to i32
    %sign3A_21 = arith.constant 0 : i32
    %sign3A_22 = arith.cmpi slt, %arg0, %sign3A_21 : i32
    %sign3A_23 = arith.extui %sign3A_22 : i1 to i32
    %sign3A_24 = arith.subi %sign3A_20, %sign3A_23 : i32
    %sign3A_25 = arith.constant 0 : i32
    %sign3A_26 = arith.cmpi sgt, %jit3A_16, %sign3A_25 : i32
    %sign3A_27 = arith.extui %sign3A_26 : i1 to i32
    %sign3A_28 = arith.constant 0 : i32
    %sign3A_29 = arith.cmpi slt, %jit3A_16, %sign3A_28 : i32
    %sign3A_30 = arith.extui %sign3A_29 : i1 to i32
    %sign3A_31 = arith.subi %sign3A_27, %sign3A_30 : i32
    %ne3A_32 = arith.cmpi ne, %sign3A_24, %sign3A_31 : i32
    %rem3A_33 = arith.remsi %arg0, %jit3A_16 : i32
    %ne3A_34 = arith.constant 0 : i32
    %ne3A_35 = arith.cmpi ne, %rem3A_33, %ne3A_34 : i32
    %and3A_36 = arith.andi %ne3A_32, %ne3A_35 : i1
    %sub3A_37 = arith.constant 1 : i32
    %sub3A_38 = arith.subi %div3A_17, %sub3A_37 : i32
    %select_n3A_39 = arith.select %and3A_36, %sub3A_38, %div3A_17 : i32
    %mul3A = arith.constant 13 : i32
    %mul3A_40 = arith.muli %mul3A, %select_n3A_39 : i32
    %sub3A_41 = arith.subi %arg0, %mul3A_40 : i32
    %c0_i32 = arith.constant 0 : i32
    %c0_i32_42 = arith.constant 0 : i32
    return %select_n3A, %sub3A_41, %c0_i32 : i32, i32, i32
  }
  func.func @transform_2(%arg0: i32) -> (i32, i32) {
    %c0_i32 = arith.constant 0 : i32
    %c0_i32_0 = arith.constant 0 : i32
    return %arg0, %c0_i32 : i32, i32
  }
  func.func @transform_3(%arg0: i32) -> (i32, i32) {
    %c0_i32 = arith.constant 0 : i32
    %c0_i32_0 = arith.constant 0 : i32
    return %arg0, %c0_i32 : i32, i32
  }
  func.func @transform_4(%arg0: i32) -> (i32, i32) {
    %c0_i32 = arith.constant 0 : i32
    %c0_i32_0 = arith.constant 0 : i32
    %c0_i32_1 = arith.constant 0 : i32
    return %c0_i32, %c0_i32_0 : i32, i32
  }
  func.func @transform_5(%arg0: i32) -> (i32, i32) {
    %c0_i32 = arith.constant 0 : i32
    %c0_i32_0 = arith.constant 0 : i32
    %c0_i32_1 = arith.constant 0 : i32
    return %c0_i32, %c0_i32_0 : i32, i32
  }
  func.func @transform_6(%arg0: i32) -> (i32, i32) {
    %c0_i32 = arith.constant 0 : i32
    %c0_i32_0 = arith.constant 0 : i32
    %c0_i32_1 = arith.constant 0 : i32
    return %c0_i32, %c0_i32_0 : i32, i32
  }
  func.func @transform_7(%arg0: i32) -> (i32, i32) {
    %c0_i32 = arith.constant 0 : i32
    %c0_i32_0 = arith.constant 0 : i32
    %c0_i32_1 = arith.constant 0 : i32
    return %c0_i32, %c0_i32_0 : i32, i32
  }
  func.func @transform_8(%arg0: i32) -> (i32, i32) {
    %c0_i32 = arith.constant 0 : i32
    %c0_i32_0 = arith.constant 0 : i32
    %c0_i32_1 = arith.constant 0 : i32
    return %c0_i32, %c0_i32_0 : i32, i32
  }
  func.func @transform_9(%arg0: i32) -> (i32, i32) {
    %c0_i32 = arith.constant 0 : i32
    %c0_i32_0 = arith.constant 0 : i32
    %c0_i32_1 = arith.constant 0 : i32
    return %c0_i32, %c0_i32_0 : i32, i32
  }
  func.func @transform_10(%arg0: i32) -> (i32, i32) {
    %c0_i32 = arith.constant 0 : i32
    %c0_i32_0 = arith.constant 0 : i32
    %c0_i32_1 = arith.constant 0 : i32
    return %c0_i32, %c0_i32_0 : i32, i32
  }
  func.func @transform_11(%arg0: i32) -> (i32, i32) {
    %c0_i32 = arith.constant 0 : i32
    %c0_i32_0 = arith.constant 0 : i32
    %c0_i32_1 = arith.constant 0 : i32
    return %c0_i32, %c0_i32_0 : i32, i32
  }
  func.func @transform_12(%arg0: i32) -> (i32, i32) {
    %c0_i32 = arith.constant 0 : i32
    %c0_i32_0 = arith.constant 0 : i32
    %c0_i32_1 = arith.constant 0 : i32
    return %c0_i32, %c0_i32_0 : i32, i32
  }
  func.func @transform_13(%arg0: i32) -> (i32, i32) {
    %c0_i32 = arith.constant 0 : i32
    %c0_i32_0 = arith.constant 0 : i32
    return %arg0, %c0_i32 : i32, i32
  }
  func.func @transform_14(%arg0: i32) -> (i32, i32) {
    %c0_i32 = arith.constant 0 : i32
    %c0_i32_0 = arith.constant 0 : i32
    %c0_i32_1 = arith.constant 0 : i32
    return %c0_i32, %c0_i32_0 : i32, i32
  }
}

</mosaic_0001>

<sc_bundles>
// kernel: kernel.10.cloned.1.call-start
scs
__scs_entry_jumppad:
0x0: {  	(pc) =	sbr.rel $0x88, $3  }
0x1: {  	(tag) =	ssettag $0x0;
	lr =	simm.s32 $0x1  }
0x2: {  	[smem:$0x3F8E] =	sst lr;
	_ =	strace $0xD0000000  }
0x3: {  	_ = 	snop  }
0x4: {  	_ = 	snop  }
0x5: {  	_ = 	snop  }
0x6: {  	_ = 	snop  }
0x7: {  	_ = 	snop  }
__scs_overlays_trampoline_lowered:
0x8: {  	[smem:$0x3F9D] =	sst s0  }
0x9: {  	[smem:$0x3F9E] =	sst s1  }
0xa: {  	[smem:$0x3F9F] =	sst s2  }
0xb: {  	[smem:$0x3FA0] =	sst s3  }
0xc: {  	[smem:$0x3FA1] =	sst s4  }
0xd: {  	[smem:$0x3FA2] =	sst s5  }
0xe: {  	[smem:$0x3FA3] =	sst s6  }
0xf: {  	[smem:$0x3FA4] =	sst s7  }
0x10: {  	[smem:$0x3FA5] =	sst s8  }
0x11: {  	[smem:$0x3FA6] =	sst s9;
	s0 =	simm.s32 @!p0 $0x0  }
0x12: {  	s1 =	sld [smem:$0x3F8C];
	s0 =	simm.s32 @p0 $0x1  }
0x13: {  	[smem:$0x3FA7] =	sst s0;
	s0 =	simm.s32 @!p1 $0x0  }
0x14: {  	s2 =	sld [smem:$0x3F8B];
	s0 =	simm.s32 @p1 $0x1  }
0x15: {  	[smem:$0x3FA8] =	sst s0;
	s0 =	simm.s32 @!p2 $0x0  }
0x16: {  	s3 =	sld [smem:$0x3FDB];
	s0 =	simm.s32 @p2 $0x1  }
0x17: {  	s4 =	simm.s32 $0x1BF5;
	[smem:$0x3FAA] =	sst s0  }
0x18: {  	s0 =	sld [smem:$0x3F8D];
	_ =	swait.ge [sflag:s4], $0x0  }
0x19: {  	s7 =	sld [smem:$0x3F8E]  }
0x1a: {  	s8 =	sadd.s32 $0xFFFFE003, lr  }
0x1b: {  	s9 =	sadd.s32 $0xFFFFFEF7, lr;
	s5 =	simm.s32 $0xFFFFFFFF;
	p2 =	slt.u32 s8, $0xFFFFF086  }
0x1c: {  	p1 =	slt.u32 s9, $0xF7A;
	s5 =	simm.s32 @!p2 $0x0  }
0x1d: {  	s5 =	simm.s32 @p1 $0x1;
	p0 =	seq.s32 s7, s2  }
0x1e: {  	s7 =	smul.u32 @!p0 $0xF7A, s2;
	p2 =	seq.s32 @!p0 s5, $0x0  }
0x1f: {  	s9 =	smul.u32 $0xF7A, s1;
	s8 =	simm.s32 @!p0 $0x1BF5;
	p2 =	por !p2, p0  }
0x20: {  	[sflag:s8] =	ssyncset.s32 @!p0 $0xFFFFF086;
	s6 =	sadd.s32 @!p0 s3, s7;
	s7 =	simm.s32 @!p0 $0x108  }
0x21: {  	s3 =	sadd.s32 s3, s9;
	s6 =	sadd.s32 @!p0 $0x88, s6;
	s7 =	simm.s32 @p2 $0x1082  }
0x22: {  	[simem:s7], [sflag:s8] =	dma.local @!p0 [hbm:s6], $0xF7A  }
0x23: {  	s9 =	sor.u32 $0xD0000000, s2;
	s6 =	simm.s32 $0x108;
	_ =	swait.ge @!p0 [sflag:s8], $0x0  }
0x24: {  	s3 =	sadd.s32 $0x88, s3;
	s6 =	simm.s32 @!p1 $0x1082;
	[sflag:s4] =	ssyncset.s32 $0xFFFFF086  }
0x25: {  	[simem:s6], [sflag:s4] =	dma.local [hbm:s3], $0xF7A  }
0x26: {  	[smem:$0x3F8E] =	sst s1;
	(tag) =	ssettag s2;
	_ =	strace s9  }
0x27: {  	s1 =	sld [smem:$0x3F9E]  }
0x28: {  	s2 =	sld [smem:$0x3F9F]  }
0x29: {  	s4 =	sld [smem:$0x3FA1]  }
0x2a: {  	p0 =	seq.s32 s5, $0x0;
	s5 =	sld [smem:$0x3FA2]  }
0x2b: {  	s6 =	sld [smem:$0x3FA3]  }
0x2c: {  	s7 =	sld [smem:$0x3FA4]  }
0x2d: {  	s3 =	simm.s32 $0x108;
	s8 =	sld [smem:$0x3FA5]  }
0x2e: {  	s3 =	simm.s32 @!p0 $0x1082;
	s9 =	sld [smem:$0x3FA6]  }
0x2f: {  	lr =	sadd.s32 s0, s3;
	s0 =	sld [smem:$0x3F9D]  }
0x30: {  	s3 =	sld [smem:$0x3FA0]  }
0x31: {  	[smem:$0x3FA9] =	sst s10  }
0x32: {  	s10 =	sld [smem:$0x3FA7];
	_ =	sdelay $0x3  }
0x33: {  	p0 =	seq.s32 s10, $0x1;
	s10 =	sld [smem:$0x3FA9];
	_ =	sdelay $0x3  }
0x34: {  	[smem:$0x3FA9] =	sst s10  }
0x35: {  	s10 =	sld [smem:$0x3FA8];
	_ =	sdelay $0x3  }
0x36: {  	p1 =	seq.s32 s10, $0x1;
	s10 =	sld [smem:$0x3FA9];
	_ =	sdelay $0x3  }
0x37: {  	[smem:$0x3FA9] =	sst s10  }
0x38: {  	s10 =	sld [smem:$0x3FAA]  }
0x39: {  	_ = 	snop;
	(pc) =	sbr.ind lr, $3  }
0x3a: {  	_ = 	snop  }
0x3b: {  	_ = 	snop  }
0x3c: {  	p2 =	seq.s32 s10, $0x1;
	s10 =	sld [smem:$0x3FA9]  }
0x3d: {  	_ =	shalt  }
0x3e: {  	_ =	shalt  }
0x3f: {  	_ =	shalt  }
0x40: {  	_ =	shalt  }
0x41: {  	_ =	shalt  }
0x42: {  	_ =	shalt  }
0x43: {  	_ =	shalt  }
0x44: {  	_ =	shalt  }
0x45: {  	_ =	shalt  }
0x46: {  	_ =	shalt  }
0x47: {  	_ =	shalt  }
0x48: {  	_ =	shalt  }
0x49: {  	_ =	shalt  }
0x4a: {  	_ =	shalt  }
0x4b: {  	_ =	shalt  }
0x4c: {  	_ =	shalt  }
0x4d: {  	_ =	shalt  }
0x4e: {  	_ =	shalt  }
0x4f: {  	_ =	shalt  }
0x50: {  	_ =	shalt  }
0x51: {  	_ =	shalt  }
0x52: {  	_ =	shalt  }
0x53: {  	_ =	shalt  }
0x54: {  	_ =	shalt  }
0x55: {  	_ =	shalt  }
0x56: {  	_ =	shalt  }
0x57: {  	_ =	shalt  }
0x58: {  	_ =	shalt  }
0x59: {  	_ =	shalt  }
0x5a: {  	_ =	shalt  }
0x5b: {  	_ =	shalt  }
0x5c: {  	_ =	shalt  }
0x5d: {  	_ =	shalt  }
0x5e: {  	_ =	shalt  }
0x5f: {  	_ =	shalt  }
0x60: {  	_ =	shalt  }
0x61: {  	_ =	shalt  }
0x62: {  	_ =	shalt  }
0x63: {  	_ =	shalt  }
0x64: {  	_ =	shalt  }
0x65: {  	_ =	shalt  }
0x66: {  	_ =	shalt  }
0x67: {  	_ =	shalt  }
0x68: {  	_ =	shalt  }
0x69: {  	_ =	shalt  }
0x6a: {  	_ =	shalt  }
0x6b: {  	_ =	shalt  }
0x6c: {  	_ =	shalt  }
0x6d: {  	_ =	shalt  }
0x6e: {  	_ =	shalt  }
0x6f: {  	_ =	shalt  }
0x70: {  	_ =	shalt  }
0x71: {  	_ =	shalt  }
0x72: {  	_ =	shalt  }
0x73: {  	_ =	shalt  }
0x74: {  	_ =	shalt  }
0x75: {  	_ =	shalt  }
0x76: {  	_ =	shalt  }
0x77: {  	_ =	shalt  }
0x78: {  	_ =	shalt  }
0x79: {  	_ =	shalt  }
0x7a: {  	_ =	shalt  }
0x7b: {  	_ =	shalt  }
0x7c: {  	_ =	shalt  }
0x7d: {  	_ =	shalt  }
0x7e: {  	_ =	shalt  }
0x7f: {  	_ =	shalt  }
0x80: {  	_ =	shalt  }
0x81: {  	_ =	shalt  }
0x82: {  	_ =	shalt  }
0x83: {  	_ =	shalt  }
0x84: {  	_ =	shalt  }
0x85: {  	_ =	shalt  }
0x86: {  	_ =	shalt  }
0x87: {  	_ =	shalt  }
.Lfunc_end0:
.L_simem_size_0:
called_computation.1_lowered:
.L_overlay_start_0:
0x88: {  	s2 =	sld [smem:$0x3FD9]  }
0x89: {  	s3 =	sld [smem:$0x3FFE];
	_ =	sdelay $0x1  }
0x8a: {  	s1 =	srdreg.scid  }
0x8b: {  	s0 =	sand.u32 $0x1, s1  }
0x8c: {  	s14 =	sshll.u32 s0, $0xA;
	s2 =	sadd.s32 s3, s2  }
0x8d: {  	s2 =	sadd.s32 s2, s14  }
0x8e: {  	[smem:$0x3FB5] =	sst s2  }
0x8f: {  	_ = 	snop  }
0x90: {  	s2 =	sld [smem:$0x3FD0];
	_ =	sdelay $0x2  }
0x91: {  	s15 =	simm.s32 $0xA;
	s4 =	simm.s32 $0x10  }
0x92: {  	[smem:s4], [sflag:s15] =	dma.local [hbm:s2], $0x1  }
0x93: {  	_ =	swait.eq [sflag:s15], $0x1  }
0x94: {  	[sflag:s15] =	ssyncset.done $0x0  }
0x95: {  	s16 =	sld [smem:$0x10];
	[sflag:s15] =	ssyncadd.s32 $0xFFFFFFFF  }
0x96: {  	s17 =	sld [smem:$0x12];
	(tm) =	ssettm $0x1  }
0x97: {  	s18 =	sld [smem:$0x3FFB];
	_ =	sdelay $0x3  }
0x98: {  	_ =	strace s18  }
0x99: {  	s4 =	sld [smem:$0x3FFC];
	_ =	sdelay $0x3  }
0x9a: {  	_ =	strace s4  }
0x9b: {  	s4 =	sld [smem:$0x3FFD];
	_ =	sdelay $0x3  }
0x9c: {  	_ =	strace s4  }
0x9d: {  	_ =	strace $0x8FFFFFFF  }
0x9e: {  	s19 =	sld [smem:$0x3FDB];
	_ =	sdelay $0x1  }
0x9f: {  	s5 =	simm.s32 $_scs_section_size  }
0xa0: {  	s6 =	simm.s32 $_size__tile_overlayer_lowered;
	s7 =	simm.s32 $_tile_overlayer_lowered  }
0xa1: {  	s22 =	simm.s32 $0x1BFF;
	s21 =	sshll.u32 s7, $0x1;
	s4 =	sadd.s32 s5, s19  }
0xa2: {  	s8 =	simm.s32 $0x0;
	s20 =	sshll.u32 s6, $0x1;
	s6 =	sadd.s32 s21, s4  }
0xa3: {  	[timem:s8], [sflag:s22] =	dma.local [hbm:s6], s20  }
0xa4: {  	_ =	swait.ge [sflag:s22], s20  }
0xa5: {  	s5 =	ssub.s32 $0x0, s20;
	[sflag:s22] =	ssyncset.done $0x0  }
0xa6: {  	[sflag:s22] =	ssyncadd.s32 s5;
	_ =	sdelay $0x1  }
0xa7: {  	s23 =	simm.s32 $0x1B8B  }
0xa8: {  	_ =	swait.ge [sflag:s23], $0x1  }
0xa9: {  	[sflag:s23] =	ssyncset.done $0x0  }
0xaa: {  	s25 =	simm.s32 $0x1B8E;
	s24 =	sld [smem:$0x3FFE];
	[sflag:s23] =	ssyncadd.s32 $0xFFFFFFFF  }
0xab: {  	s26 =	simm.s32 $execute0_lowered;
	[smem:$0x3FD2] =	sst s25  }
0xac: {  	s6 =	sshll.u32 s26, $0x1;
	_ =	strace $0x80000049;
	[dreg:$0x1] =	wrdreg $0xFFFFFFFF  }
0xad: {  	s28 =	simm.s32 $_size_execute0_lowered;
	s4 =	sadd.s32 s4, s6;
	[dreg:$0x0] =	wrdreg $0x0  }
0xae: {  	s6 =	sshll.u32 s28, $0x1;
	[dreg:$0x2] =	wrdreg s4  }
0xaf: {  	[dreg:$0x3] =	wrdreg s6  }
0xb0: {  	[dreg:$0x4] =	wrdreg $0xC0  }
0xb1: {  	_ =	task [dreg:s8], $0x5FFFF  }
0xb2: {  	[dreg:$0x1] =	wrdreg $0xFFFFFFFF  }
0xb3: {  	[dreg:$0x0] =	wrdreg $0x60  }
0xb4: {  	[dreg:$0x2] =	wrdreg s24  }
0xb5: {  	[dreg:$0x3] =	wrdreg s17  }
0xb6: {  	[dreg:$0x4] =	wrdreg s16  }
0xb7: {  	[dreg:$0x5] =	wrdreg $0x97000  }
0xb8: {  	[dreg:$0x6] =	wrdreg $0x167000  }
0xb9: {  	[dreg:$0x7] =	wrdreg $0x9  }
0xba: {  	_ =	task.clear_ibuf [dreg:s8], $0x8FFFF;
	_ =	strace $0x90000049  }
0xbb: {  	s29 =	simm.s32 $0x9;
	_ =	strace $0x8000004B  }
0xbc: {  	_ =	swait.ge [sflag:s29], $0x1  }
0xbd: {  	[sflag:s29] =	ssyncadd.s32 $0xFFFFFFFF  }
0xbe: {  	_ =	strace $0x9000004B  }
0xbf: {  	_ =	sfence  }
0xc0: {  	s30 =	sld [smem:$0x0];
	_ =	sdelay $0x2  }
0xc1: {  	s31 =	sshll.u32 s1, $0xD;
	s1 =	sshrl.u32 s1, $0x2  }
0xc2: {  	s3 =	sand.u32 $0x4000, s31;
	s1 =	sadd.s32 s1, s30  }
0xc3: {  	s0 =	sor.u32 s3, s0;
	s1 =	sshll.u32 s1, $0x11  }
0xc4: {  	s0 =	sor.u32 s1, s0  }
0xc5: {  	s0 =	sadd.s32 $0x8F2B, s0  }
0xc6: {  	[sflag:s0] =	ssyncadd.remote.s32 $0x1  }
0xc7: {  	_ =	sfence.sel $0xFFFF  }
0xc8: {  	[dreg:$0x0] =	wrdreg $0xFFFFFFFF;
	(pc) =	sbr.abs _section_cstart, $3  }
0xc9: {  	[dreg:$0x1] =	wrdreg $0xFFFFFFFF  }
0xca: {  	_ =	task.clear_ibuf [dreg:s8], $0x2FFFF;
	_ =	strace $0x9FFFFFFF  }
0xcb: {  	(tm) =	ssettm $0x7FFFFFFF  }
tec
execute0_lowered:
.L_overlay_start_1:
0x0: {  	(tag) =	ssettag $0x1  }
0x1: {  	s0 =	rddreg [dreg:$0x0]  }
0x2: {  	s2 =	rddreg [dreg:$0x1];
	s1 =	stileid.u32  }
0x3: {  	s16 =	rddreg [dreg:$0x2];
	s6 =	smul.u32 $0x30C00, s1  }
0x4: {  	s3 =	rddreg [dreg:$0x3];
	s7 =	smul.u32 $0x1860, s1  }
0x5: {  	s4 =	rddreg [dreg:$0x4];
	s5 =	simm.s32 $0x0;
	s9 =	smul.u32 $0x680, s1  }
0x6: {  	s8 =	srdreg.scid;
	s25 =	simm.s32 $0x80;
	s13 =	smul.u32 $0xD000, s1  }
0x7: {  	s26 =	simm.s32 $0x0;
	s11 =	sand.u32 $0x1, s8;
	s14 =	smul.u32 $0x3400, s1  }
0x8: {  	[smem:$0x7FF] =	sst s5;
	p0 =	slt.u32 s1, $0xA;
	s24 =	smul.u32 $0x6590, s11  }
0x9: {  	s23 =	smin.u32 s1, $0xA;
	_ =	strace $0x8000004A;
	s21 =	smul.u32 $0xD0000, s11  }
0xa: {  	s8 =	ssub.s32 $0x2, s11;
	s22 =	smul.u32 $0x34000, s11;
	s30 =	sshll.u32 s23, $0x9  }
0xb: {  	s31 =	sshll.u32 s23, $0x4;
	s23 =	simm.s32 $0x1100;
	s18 =	sadd.s32 s6, s0  }
0xc: {  	s19 =	sadd.s32 s7, s0;
	s6 =	sadd.s32 $0x3E00, s0;
	s7 =	sadd.s32 $0x1D33C00, s0  }
0xd: {  	s0 =	sadd.s32 $0x140B200, s0;
	s10 =	sshrl.u32 s8, $0x1;
	s20 =	sadd.s32 $0x340, s9  }
0xe: {  	s9 =	sadd.s32 s14, s4;
	s17 =	ssub.s32 s8, s10;
	s8 =	sadd.s32 s13, s3  }
0xf: {  	s15 =	sshll.u32 s20, $0x5;
	s10 =	simm.s32 $0x187;
	s13 =	sadd.s32 s13, s21  }
0x10: {  	s14 =	sadd.s32 s14, s22;
	s29 =	sshrl.u32 s22, $0x3;
	s19 =	sadd.s32 s31, s19  }
0x11: {  	s22 =	simm.s32 $0x7D00;
	v0 =	vmov s24;
	s24 =	simm.s32 $0x100;
	s12 =	sshrl.u32 s15, $0x2  }
0x12: {  	s11 =	sadd.s32 s15, s3;
	s10 =	simm.s32 @!p0 $0x186;
	s13 =	sshrl.u32 s13, $0x3  }
0x13: {  	s14 =	sshrl.u32 s14, $0x3;
	s15 =	sadd.s32 s21, s15;
	s17 =	smax.u32 s17, $0x1  }
0x14: {  	s21 =	simm.s32 $0x1;
	s12 =	sadd.s32 s12, s4;
	s13 =	sadd.s32 s0, s13  }
0x15: {  	s14 =	sadd.s32 s16, s14;
	s15 =	sshrl.u32 s15, $0x3;
	s16 =	sadd.s32 s16, s20  }
0x16: {  	s20 =	simm.s32 $0x1500;
	s15 =	sadd.s32 s0, s15;
	s0 =	sadd.s32 s30, s18  }
0x17: {  	s16 =	sadd.s32 s29, s16;
	s18 =	sadd.s32 $0x10FDE00, s0;
	s0 =	sadd.s32 $0x1C600, s19  }
.LBB2_1:
0x18: {  	[tilespmem:s20], [sflag:$0x1] =	stream.linear.gather [hbm4b:s6+s5], $0x6800, $0x38;
	[tilespmem:$0x16D80] =	vst v63  }
0x19: {  	_ =	swait.ge [sflag:s21], $0x6800  }
0x1a: {  	[sflag:s21] =	ssyncset.done $0x0  }
0x1b: {  	[sflag:s21] =	ssyncadd.s32 $0xFFFF9800  }
0x1c: {  	[tilespmem:s22], [sflag:$0x1] =	stream.linear.gather [hbm4b:s7+s5], $0x1A00, $0x38;
	[tilespmem:$0x16D80] =	vst v63  }
0x1d: {  	_ =	swait.ge [sflag:s21], $0x1A00  }
0x1e: {  	[sflag:s21] =	ssyncset.done $0x0  }
0x1f: {  	[sflag:s21] =	ssyncadd.s32 $0xFFFFE600  }
0x20: {  	[tilespmem:s23], [sflag:$0x1] =	stream.linear.gather [hbm4b:s2+s5], $0x400, $0x38;
	[tilespmem:$0x16D80] =	vst v63  }
0x21: {  	_ =	swait.ge [sflag:s21], $0x400  }
0x22: {  	[sflag:s21] =	ssyncset.done $0x0  }
0x23: {  	[sflag:s21] =	ssyncadd.s32 $0xFFFFFC00  }
0x24: {  	[spmem:s8] =	stream.linear.scatter [tilespmem:s20], [sflag:$0x1], $0x6800, $0x38;
	[tilespmem:$0x16D80] =	vst v63  }
0x25: {  	_ =	swait.ge [sflag:s21], $0x6800  }
0x26: {  	[sflag:s21] =	ssyncset.done $0x0  }
0x27: {  	[sflag:s21] =	ssyncadd.s32 $0xFFFF9800  }
0x28: {  	[spmem:s9] =	stream.linear.scatter [tilespmem:s22], [sflag:$0x1], $0x1A00, $0x38;
	[tilespmem:$0x16D80] =	vst v63  }
0x29: {  	_ =	swait.ge [sflag:s21], $0x1A00  }
0x2a: {  	[sflag:s21] =	ssyncset.done $0x0  }
0x2b: {  	[sflag:s21] =	ssyncadd.s32 $0xFFFFE600  }
0x2c: {  	[spmem:s11] =	stream.linear.scatter [tilespmem:s20], [sflag:$0x1], $0x6800, $0x38;
	[tilespmem:$0x16D80] =	vst v63  }
0x2d: {  	_ =	swait.ge [sflag:s21], $0x6800  }
0x2e: {  	[sflag:s21] =	ssyncset.done $0x0  }
0x2f: {  	p0 =	sne.s32 s10, $0x1;
	[sflag:s21] =	ssyncadd.s32 $0xFFFF9800  }
0x30: {  	[spmem:s12] =	stream.linear.scatter [tilespmem:s22], [sflag:$0x1], $0x1A00, $0x38;
	[tilespmem:$0x16D80] =	vst v63  }
.Ltmp0:
0x31: {  	_ =	swait.ge [sflag:s21], $0x1A00;
	(pc) =	sbr.rel @!p0 .LBB2_3-.Ltmp0, $4  }
0x32: {  	[sflag:s21] =	ssyncset.done $0x0  }
0x33: {  	[sflag:s21] =	ssyncadd.s32 $0xFFFFE600  }
0x34: {  	s28 =	sadd.s32 $0xFFFFFFFF, s10;
	s29 =	sadd.s32 $0x200, s18;
	[bflag:$0x0] =	sbarrier.arrive $0xFFFF  }
0x35: {  	s31 =	sadd.s32 $0x10, s0;
	s19 =	smov.u32 s0;
	s30 =	smov.u32 s18  }
.LBB2_2:
0x36: {  	[tilespmem:s5], [sflag:$0x1] =	stream.linear.gather [hbm4b:s19+s5], $0x80, $0x38;
	[tilespmem:$0x16D80] =	vst v63  }
0x37: {  	p0 =	sne.s32 s28, $0x1;
	s28 =	sadd.s32 $0xFFFFFFFF, s28;
	_ =	swait.ge [sflag:s21], $0x80  }
0x38: {  	s19 =	smov.u32 s31;
	[sflag:s21] =	ssyncset.done $0x0  }
0x39: {  	[sflag:s21] =	ssyncadd.s32 $0xFFFFFF80  }
0x3a: {  	[tilespmem:s24], [sflag:$0x1] =	stream.linear.gather [hbm4b:s30+s5], $0x1000, $0x38;
	[tilespmem:$0x16D80] =	vst v63  }
0x3b: {  	s30 =	smov.u32 s29;
	_ =	swait.ge [sflag:s21], $0x1000  }
0x3c: {  	[sflag:s21] =	ssyncset.done $0x0  }
0x3d: {  	[sflag:s21] =	ssyncadd.s32 $0xFFFFF000  }
0x3e: {  	v1 =	vld [tilespmem:$0x20]  }
0x3f: {  	v2 =	vld [tilespmem:$0x10]  }
0x40: {  	v3 =	vld [tilespmem:$0x70]  }
0x41: {  	v4 =	vld [tilespmem:$0x30]  }
0x42: {  	v5 =	vld [tilespmem:$0x0]  }
0x43: {  	v6 =	vld [tilespmem:$0x50]  }
0x44: {  	v2 =	vsub.s32 v2, v0;
	v7 =	vld [tilespmem:$0x40]  }
0x45: {  	vm0 =	vlt.u32 v2, $0x6590;
	v8 =	vld [tilespmem:$0x60];
	v3 =	vsub.s32 v3, v0  }
0x46: {  	v2 =	vnsel vm0, $0x65A0, v2;
	v4 =	vsub.s32 v4, v0;
	vm0 =	vlt.u32 v3, $0x6590  }
0x47: {  	v1 =	vsub.s32 v1, v0;
	[tilespmem:$0x90] =	vst v2;
	vm1 =	vlt.u32 v4, $0x6590;
	v2 =	vnsel vm0, $0x65A0, v3  }
0x48: {  	vm0 =	vlt.u32 v1, $0x6590;
	v3 =	vnsel vm1, $0x65A0, v4;
	v4 =	vsub.s32 v6, v0;
	[tilespmem:$0xF0] =	vst v2  }
0x49: {  	v1 =	vnsel vm0, $0x65A0, v1;
	[tilespmem:$0xB0] =	vst v3;
	v2 =	vsub.s32 v7, v0;
	vm0 =	vlt.u32 v4, $0x6590  }
0x4a: {  	v3 =	vsub.s32 v5, v0;
	[tilespmem:$0xA0] =	vst v1;
	vm1 =	vlt.u32 v2, $0x6590;
	v1 =	vnsel vm0, $0x65A0, v4  }
0x4b: {  	vm0 =	vlt.u32 v3, $0x6590;
	v2 =	vnsel vm1, $0x65A0, v2;
	[tilespmem:$0xD0] =	vst v1;
	v1 =	vsub.s32 v8, v0  }
0x4c: {  	v3 =	vnsel vm0, $0x65A0, v3;
	[tilespmem:$0xC0] =	vst v2;
	vm0 =	vlt.u32 v1, $0x6590  }
0x4d: {  	[tilespmem:$0x80] =	vst v3;
	v1 =	vnsel vm0, $0x65A0, v1  }
0x4e: {  	[tilespmem:$0xE0] =	vst v1  }
0x4f: {  	[spmem:s3] =	stream.indirect.scatter.add.f32 [tilespmem:s24], [sflag:$0x1], $0x20, s25, s25, $0xb8;
	[tilespmem:$0x16D80] =	vst v63  }
0x50: {  	_ =	swait.ge [sflag:s21], $0x1000  }
0x51: {  	[sflag:s21] =	ssyncset.done $0x0  }
.Ltmp1:
0x52: {  	[sflag:s21] =	ssyncadd.s32 $0xFFFFF000;
	(pc) =	sbr.rel @p0 .LBB2_2-.Ltmp1, $4  }
0x53: {  	[spmem:s4] =	stream.indirect.scatter.add.f32 [tilespmem:s23], [sflag:$0x1], $0x1, s25, s25, $0xb8;
	[tilespmem:$0x16D80] =	vst v63  }
0x54: {  	_ =	swait.ge [sflag:s21], $0x80  }
0x55: {  	[sflag:s21] =	ssyncset.done $0x0  }
0x56: {  	s31 =	sadd.s32 $0x10, s31;
	s29 =	sadd.s32 $0x200, s29;
	[sflag:s21] =	ssyncadd.s32 $0xFFFFFF80  }
.LBB2_3:
0x57: {  	[tilespmem:s5], [sflag:$0x1] =	stream.linear.gather [hbm4b:s19+s5], $0x80, $0x38;
	[tilespmem:$0x16D80] =	vst v63  }
0x58: {  	_ =	swait.ge [sflag:s21], $0x80  }
0x59: {  	[sflag:s21] =	ssyncset.done $0x0  }
0x5a: {  	[sflag:s21] =	ssyncadd.s32 $0xFFFFFF80  }
0x5b: {  	[tilespmem:s24], [sflag:$0x1] =	stream.linear.gather [hbm4b:s30+s5], $0x1000, $0x38;
	[tilespmem:$0x16D80] =	vst v63  }
0x5c: {  	_ =	swait.ge [sflag:s21], $0x1000  }
0x5d: {  	[sflag:s21] =	ssyncset.done $0x0  }
0x5e: {  	[sflag:s21] =	ssyncadd.s32 $0xFFFFF000  }
0x5f: {  	v1 =	vld [tilespmem:$0x10]  }
0x60: {  	v2 =	vld [tilespmem:$0x70]  }
0x61: {  	v3 =	vld [tilespmem:$0x30]  }
0x62: {  	v4 =	vld [tilespmem:$0x20]  }
0x63: {  	v5 =	vld [tilespmem:$0x50]  }
0x64: {  	v6 =	vld [tilespmem:$0x40];
	v1 =	vsub.s32 v1, v0  }
0x65: {  	v7 =	vld [tilespmem:$0x0];
	v2 =	vsub.s32 v2, v0;
	vm0 =	vlt.u32 v1, $0x6590  }
0x66: {  	v8 =	vld [tilespmem:$0x60];
	v3 =	vsub.s32 v3, v0;
	vm10 =	vlt.u32 v2, $0x6590;
	v1 =	vnsel vm0, $0x65A0, v1  }
0x67: {  	vm1 =	vlt.u32 v3, $0x6590;
	v2 =	vnsel vm10, $0x65A0, v2;
	[tilespmem:$0x90] =	vst v1;
	v1 =	vsub.s32 v4, v0  }
0x68: {  	v63 =	vsub.s32 v5, v0;
	v3 =	vnsel vm1, $0x65A0, v3;
	[tilespmem:$0xF0] =	vst v2;
	vm11 =	vlt.u32 v1, $0x6590  }
0x69: {  	vm12 =	vlt.u32 v63, $0x6590;
	[tilespmem:$0xB0] =	vst v3;
	v2 =	vsub.s32 v6, v0;
	v1 =	vnsel vm11, $0x65A0, v1  }
0x6a: {  	v3 =	vsub.s32 v7, v0;
	vm13 =	vlt.u32 v2, $0x6590;
	[tilespmem:$0xA0] =	vst v1;
	v1 =	vnsel vm12, $0x65A0, v63  }
0x6b: {  	vm14 =	vlt.u32 v3, $0x6590;
	v2 =	vnsel vm13, $0x65A0, v2;
	[tilespmem:$0xD0] =	vst v1;
	v1 =	vsub.s32 v8, v0  }
0x6c: {  	v3 =	vnsel vm14, $0x65A0, v3;
	[tilespmem:$0xC0] =	vst v2;
	vm15 =	vlt.u32 v1, $0x6590  }
0x6d: {  	[tilespmem:$0x80] =	vst v3;
	v1 =	vnsel vm15, $0x65A0, v1  }
0x6e: {  	[tilespmem:$0xE0] =	vst v1  }
0x6f: {  	[spmem:s3] =	stream.indirect.scatter.add.f32 [tilespmem:s24], [sflag:$0x1], $0x20, s25, s25, $0xb8;
	[tilespmem:$0x16D80] =	vst v63  }
0x70: {  	_ =	swait.ge [sflag:s21], $0x1000  }
0x71: {  	[sflag:s21] =	ssyncset.done $0x0  }
0x72: {  	[sflag:s21] =	ssyncadd.s32 $0xFFFFF000  }
0x73: {  	[spmem:s4] =	stream.indirect.scatter.add.f32 [tilespmem:s23], [sflag:$0x1], $0x1, s25, s25, $0xb8;
	[tilespmem:$0x16D80] =	vst v63  }
0x74: {  	_ =	swait.ge [sflag:s21], $0x80  }
0x75: {  	[sflag:s21] =	ssyncset.done $0x0  }
0x76: {  	[sflag:s21] =	ssyncadd.s32 $0xFFFFFF80  }
0x77: {  	[bflag:$0x0] =	sbarrier.arrive $0xFFFF  }
0x78: {  	[tilespmem:s20], [sflag:$0x1] =	stream.linear.gather [spmem:s8], $0x6800, $0x38;
	[tilespmem:$0x16D80] =	vst v63  }
0x79: {  	_ =	swait.ge [sflag:s21], $0x6800  }
0x7a: {  	[sflag:s21] =	ssyncset.done $0x0  }
0x7b: {  	[sflag:s21] =	ssyncadd.s32 $0xFFFF9800  }
0x7c: {  	[hbm4b:s13+s5] =	stream.linear.scatter [tilespmem:s20], [sflag:$0x1], $0x6800, $0x38;
	[tilespmem:$0x16D80] =	vst v63  }
0x7d: {  	_ =	swait.ge [sflag:s21], $0x6800  }
0x7e: {  	[sflag:s21] =	ssyncset.done $0x0  }
0x7f: {  	[sflag:s21] =	ssyncadd.s32 $0xFFFF9800  }
0x80: {  	[tilespmem:s22], [sflag:$0x1] =	stream.linear.gather [spmem:s9], $0x1A00, $0x38;
	[tilespmem:$0x16D80] =	vst v63  }
0x81: {  	_ =	swait.ge [sflag:s21], $0x1A00  }
0x82: {  	[sflag:s21] =	ssyncset.done $0x0  }
0x83: {  	[sflag:s21] =	ssyncadd.s32 $0xFFFFE600  }
0x84: {  	[hbm4b:s14+s5] =	stream.linear.scatter [tilespmem:s22], [sflag:$0x1], $0x1A00, $0x38;
	[tilespmem:$0x16D80] =	vst v63  }
0x85: {  	_ =	swait.ge [sflag:s21], $0x1A00  }
0x86: {  	[sflag:s21] =	ssyncset.done $0x0  }
0x87: {  	[sflag:s21] =	ssyncadd.s32 $0xFFFFE600  }
0x88: {  	[tilespmem:s20], [sflag:$0x1] =	stream.linear.gather [spmem:s11], $0x6800, $0x38;
	[tilespmem:$0x16D80] =	vst v63  }
0x89: {  	_ =	swait.ge [sflag:s21], $0x6800  }
0x8a: {  	[sflag:s21] =	ssyncset.done $0x0  }
0x8b: {  	[sflag:s21] =	ssyncadd.s32 $0xFFFF9800  }
0x8c: {  	[hbm4b:s15+s5] =	stream.linear.scatter [tilespmem:s20], [sflag:$0x1], $0x6800, $0x38;
	[tilespmem:$0x16D80] =	vst v63  }
0x8d: {  	_ =	swait.ge [sflag:s21], $0x6800  }
0x8e: {  	[sflag:s21] =	ssyncset.done $0x0  }
0x8f: {  	[sflag:s21] =	ssyncadd.s32 $0xFFFF9800  }
0x90: {  	[tilespmem:s22], [sflag:$0x1] =	stream.linear.gather [spmem:s12], $0x1A00, $0x38;
	[tilespmem:$0x16D80] =	vst v63  }
0x91: {  	s26 =	sadd.s32 $0x1, s26;
	_ =	swait.ge [sflag:s21], $0x1A00  }
0x92: {  	p0 =	sne.s32 s26, s17;
	[sflag:s21] =	ssyncset.done $0x0  }
.Ltmp2:
0x93: {  	[sflag:s21] =	ssyncadd.s32 $0xFFFFE600;
	(pc) =	sbr.rel @p0 .LBB2_1-.Ltmp2, $4  }
0x94: {  	[hbm4b:s16+s5] =	stream.linear.scatter [tilespmem:s22], [sflag:$0x1], $0x1A00, $0x38;
	[tilespmem:$0x16D80] =	vst v63  }
0x95: {  	_ =	swait.ge [sflag:s21], $0x1A00  }
0x96: {  	[sflag:s21] =	ssyncset.done $0x0  }
0x97: {  	[sflag:s21] =	ssyncadd.s32 $0xFFFFE600  }
0x98: {  	_ =	sfence.sel $0x180000  }
0x99: {  	[bflag:$0x0] =	sbarrier.arrive $0xFFFF  }
0x9a: {  	_ =	strace $0x9000004A  }
0x9b: {  	[bflag:$0x2] =	sbarrier.arrive $0xFFFF  }
0x9c: {  	p0 =	sne.s32 s1, $0x0;
	s0 =	rddreg [dreg:$0x5]  }
0x9d: {  	s0 =	sadd.s32 @!p0 $0x100000, s0  }
0x9e: {  	[sflag:s0] =	ssyncadd.tile.s32 @!p0 $0x1;
	_ =	shalt  }
.Lfunc_end2:
_tile_overlayer_lowered:
.L_overlay_start_2:
0x9f: {  	(tag) =	ssettag $0x2  }
0xa0: {  	s0 =	rddreg [dreg:$0x0];
	s2 =	stileid.u32  }
0xa1: {  	s1 =	rddreg [dreg:$0x1];
	p0 =	sne.s32 s2, $0x0  }
0xa2: {  	s3 =	rddreg [dreg:$0x2];
	[bflag:$0x3] =	sbarrier.arrive $0xFFFF;
	s2 =	simm.s32 @!p0 $0x1C01  }
0xa3: {  	[timem:s3], [sflag:s2] =	dma.local @!p0 [hbm:s0], s1  }
0xa4: {  	s0 =	simm.s32 @!p0 $0x1  }
0xa5: {  	_ =	swait.ge @!p0 [sflag:s0], s1  }
0xa6: {  	s1 =	ssub.s32 @!p0 $0x0, s1;
	[sflag:s0] =	ssyncset.done @!p0 $0x0  }
0xa7: {  	[sflag:s0] =	ssyncadd.s32 @!p0 s1  }
0xa8: {  	[bflag:$0x3] =	sbarrier.arrive $0xFFFF  }
0xa9: {  	_ =	shalt  }

// kernel: kernel.7.cloned.1.call-start
scs
__scs_entry_jumppad:
0x0: {  	(pc) =	sbr.rel $0x88, $3  }
0x1: {  	(tag) =	ssettag $0x0;
	lr =	simm.s32 $0x1  }
0x2: {  	[smem:$0x3F8E] =	sst lr;
	_ =	strace $0xD0000000  }
0x3: {  	_ = 	snop  }
0x4: {  	_ = 	snop  }
0x5: {  	_ = 	snop  }
0x6: {  	_ = 	snop  }
0x7: {  	_ = 	snop  }
__scs_overlays_trampoline_lowered:
0x8: {  	[smem:$0x3F9D] =	sst s0  }
0x9: {  	[smem:$0x3F9E] =	sst s1  }
0xa: {  	[smem:$0x3F9F] =	sst s2  }
0xb: {  	[smem:$0x3FA0] =	sst s3  }
0xc: {  	[smem:$0x3FA1] =	sst s4  }
0xd: {  	[smem:$0x3FA2] =	sst s5  }
0xe: {  	[smem:$0x3FA3] =	sst s6  }
0xf: {  	[smem:$0x3FA4] =	sst s7  }
0x10: {  	[smem:$0x3FA5] =	sst s8  }
0x11: {  	[smem:$0x3FA6] =	sst s9;
	s0 =	simm.s32 @!p0 $0x0  }
0x12: {  	s1 =	sld [smem:$0x3F8C];
	s0 =	simm.s32 @p0 $0x1  }
0x13: {  	[smem:$0x3FA7] =	sst s0;
	s0 =	simm.s32 @!p1 $0x0  }
0x14: {  	s2 =	sld [smem:$0x3F8B];
	s0 =	simm.s32 @p1 $0x1  }
0x15: {  	[smem:$0x3FA8] =	sst s0;
	s0 =	simm.s32 @!p2 $0x0  }
0x16: {  	s3 =	sld [smem:$0x3FDB];
	s0 =	simm.s32 @p2 $0x1  }
0x17: {  	s4 =	simm.s32 $0x1BF5;
	[smem:$0x3FAA] =	sst s0  }
0x18: {  	s0 =	sld [smem:$0x3F8D];
	_ =	swait.ge [sflag:s4], $0x0  }
0x19: {  	s7 =	sld [smem:$0x3F8E]  }
0x1a: {  	s8 =	sadd.s32 $0xFFFFE003, lr  }
0x1b: {  	s9 =	sadd.s32 $0xFFFFFEF7, lr;
	s5 =	simm.s32 $0xFFFFFFFF;
	p2 =	slt.u32 s8, $0xFFFFF086  }
0x1c: {  	p1 =	slt.u32 s9, $0xF7A;
	s5 =	simm.s32 @!p2 $0x0  }
0x1d: {  	s5 =	simm.s32 @p1 $0x1;
	p0 =	seq.s32 s7, s2  }
0x1e: {  	s7 =	smul.u32 @!p0 $0xF7A, s2;
	p2 =	seq.s32 @!p0 s5, $0x0  }
0x1f: {  	s9 =	smul.u32 $0xF7A, s1;
	s8 =	simm.s32 @!p0 $0x1BF5;
	p2 =	por !p2, p0  }
0x20: {  	[sflag:s8] =	ssyncset.s32 @!p0 $0xFFFFF086;
	s6 =	sadd.s32 @!p0 s3, s7;
	s7 =	simm.s32 @!p0 $0x108  }
0x21: {  	s3 =	sadd.s32 s3, s9;
	s6 =	sadd.s32 @!p0 $0x88, s6;
	s7 =	simm.s32 @p2 $0x1082  }
0x22: {  	[simem:s7], [sflag:s8] =	dma.local @!p0 [hbm:s6], $0xF7A  }
0x23: {  	s9 =	sor.u32 $0xD0000000, s2;
	s6 =	simm.s32 $0x108;
	_ =	swait.ge @!p0 [sflag:s8], $0x0  }
0x24: {  	s3 =	sadd.s32 $0x88, s3;
	s6 =	simm.s32 @!p1 $0x1082;
	[sflag:s4] =	ssyncset.s32 $0xFFFFF086  }
0x25: {  	[simem:s6], [sflag:s4] =	dma.local [hbm:s3], $0xF7A  }
0x26: {  	[smem:$0x3F8E] =	sst s1;
	(tag) =	ssettag s2;
	_ =	strace s9  }
0x27: {  	s1 =	sld [smem:$0x3F9E]  }
0x28: {  	s2 =	sld [smem:$0x3F9F]  }
0x29: {  	s4 =	sld [smem:$0x3FA1]  }
0x2a: {  	p0 =	seq.s32 s5, $0x0;
	s5 =	sld [smem:$0x3FA2]  }
0x2b: {  	s6 =	sld [smem:$0x3FA3]  }
0x2c: {  	s7 =	sld [smem:$0x3FA4]  }
0x2d: {  	s3 =	simm.s32 $0x108;
	s8 =	sld [smem:$0x3FA5]  }
0x2e: {  	s3 =	simm.s32 @!p0 $0x1082;
	s9 =	sld [smem:$0x3FA6]  }
0x2f: {  	lr =	sadd.s32 s0, s3;
	s0 =	sld [smem:$0x3F9D]  }
0x30: {  	s3 =	sld [smem:$0x3FA0]  }
0x31: {  	[smem:$0x3FA9] =	sst s10  }
0x32: {  	s10 =	sld [smem:$0x3FA7];
	_ =	sdelay $0x3  }
0x33: {  	p0 =	seq.s32 s10, $0x1;
	s10 =	sld [smem:$0x3FA9];
	_ =	sdelay $0x3  }
0x34: {  	[smem:$0x3FA9] =	sst s10  }
0x35: {  	s10 =	sld [smem:$0x3FA8];
	_ =	sdelay $0x3  }
0x36: {  	p1 =	seq.s32 s10, $0x1;
	s10 =	sld [smem:$0x3FA9];
	_ =	sdelay $0x3  }
0x37: {  	[smem:$0x3FA9] =	sst s10  }
0x38: {  	s10 =	sld [smem:$0x3FAA]  }
0x39: {  	_ = 	snop;
	(pc) =	sbr.ind lr, $3  }
0x3a: {  	_ = 	snop  }
0x3b: {  	_ = 	snop  }
0x3c: {  	p2 =	seq.s32 s10, $0x1;
	s10 =	sld [smem:$0x3FA9]  }
0x3d: {  	_ =	shalt  }
0x3e: {  	_ =	shalt  }
0x3f: {  	_ =	shalt  }
0x40: {  	_ =	shalt  }
0x41: {  	_ =	shalt  }
0x42: {  	_ =	shalt  }
0x43: {  	_ =	shalt  }
0x44: {  	_ =	shalt  }
0x45: {  	_ =	shalt  }
0x46: {  	_ =	shalt  }
0x47: {  	_ =	shalt  }
0x48: {  	_ =	shalt  }
0x49: {  	_ =	shalt  }
0x4a: {  	_ =	shalt  }
0x4b: {  	_ =	shalt  }
0x4c: {  	_ =	shalt  }
0x4d: {  	_ =	shalt  }
0x4e: {  	_ =	shalt  }
0x4f: {  	_ =	shalt  }
0x50: {  	_ =	shalt  }
0x51: {  	_ =	shalt  }
0x52: {  	_ =	shalt  }
0x53: {  	_ =	shalt  }
0x54: {  	_ =	shalt  }
0x55: {  	_ =	shalt  }
0x56: {  	_ =	shalt  }
0x57: {  	_ =	shalt  }
0x58: {  	_ =	shalt  }
0x59: {  	_ =	shalt  }
0x5a: {  	_ =	shalt  }
0x5b: {  	_ =	shalt  }
0x5c: {  	_ =	shalt  }
0x5d: {  	_ =	shalt  }
0x5e: {  	_ =	shalt  }
0x5f: {  	_ =	shalt  }
0x60: {  	_ =	shalt  }
0x61: {  	_ =	shalt  }
0x62: {  	_ =	shalt  }
0x63: {  	_ =	shalt  }
0x64: {  	_ =	shalt  }
0x65: {  	_ =	shalt  }
0x66: {  	_ =	shalt  }
0x67: {  	_ =	shalt  }
0x68: {  	_ =	shalt  }
0x69: {  	_ =	shalt  }
0x6a: {  	_ =	shalt  }
0x6b: {  	_ =	shalt  }
0x6c: {  	_ =	shalt  }
0x6d: {  	_ =	shalt  }
0x6e: {  	_ =	shalt  }
0x6f: {  	_ =	shalt  }
0x70: {  	_ =	shalt  }
0x71: {  	_ =	shalt  }
0x72: {  	_ =	shalt  }
0x73: {  	_ =	shalt  }
0x74: {  	_ =	shalt  }
0x75: {  	_ =	shalt  }
0x76: {  	_ =	shalt  }
0x77: {  	_ =	shalt  }
0x78: {  	_ =	shalt  }
0x79: {  	_ =	shalt  }
0x7a: {  	_ =	shalt  }
0x7b: {  	_ =	shalt  }
0x7c: {  	_ =	shalt  }
0x7d: {  	_ =	shalt  }
0x7e: {  	_ =	shalt  }
0x7f: {  	_ =	shalt  }
0x80: {  	_ =	shalt  }
0x81: {  	_ =	shalt  }
0x82: {  	_ =	shalt  }
0x83: {  	_ =	shalt  }
0x84: {  	_ =	shalt  }
0x85: {  	_ =	shalt  }
0x86: {  	_ =	shalt  }
0x87: {  	_ =	shalt  }
.Lfunc_end0:
.L_simem_size_0:
called_computation_lowered:
.L_overlay_start_0:
0x88: {  	s2 =	sld [smem:$0x3FD9]  }
0x89: {  	s3 =	sld [smem:$0x3FFE];
	_ =	sdelay $0x1  }
0x8a: {  	s1 =	srdreg.scid  }
0x8b: {  	s0 =	sand.u32 $0x1, s1  }
0x8c: {  	s14 =	sshll.u32 s0, $0xA;
	s2 =	sadd.s32 s3, s2  }
0x8d: {  	s2 =	sadd.s32 s2, s14  }
0x8e: {  	[smem:$0x3FB5] =	sst s2  }
0x8f: {  	_ = 	snop  }
0x90: {  	s2 =	sld [smem:$0x3FD0];
	_ =	sdelay $0x2  }
0x91: {  	s15 =	simm.s32 $0xA;
	s4 =	simm.s32 $0x10  }
0x92: {  	[smem:s4], [sflag:s15] =	dma.local [hbm:s2], $0x1  }
0x93: {  	_ =	swait.eq [sflag:s15], $0x1  }
0x94: {  	[sflag:s15] =	ssyncset.done $0x0  }
0x95: {  	s16 =	sld [smem:$0x10];
	[sflag:s15] =	ssyncadd.s32 $0xFFFFFFFF  }
0x96: {  	s17 =	sld [smem:$0x11];
	(tm) =	ssettm $0x1  }
0x97: {  	s18 =	sld [smem:$0x3FFB];
	_ =	sdelay $0x3  }
0x98: {  	_ =	strace s18  }
0x99: {  	s4 =	sld [smem:$0x3FFC];
	_ =	sdelay $0x3  }
0x9a: {  	_ =	strace s4  }
0x9b: {  	s4 =	sld [smem:$0x3FFD];
	_ =	sdelay $0x3  }
0x9c: {  	_ =	strace s4  }
0x9d: {  	_ =	strace $0x8FFFFFFF  }
0x9e: {  	s19 =	sld [smem:$0x3FDB];
	_ =	sdelay $0x1  }
0x9f: {  	s5 =	simm.s32 $_scs_section_size  }
0xa0: {  	s6 =	simm.s32 $_size__tile_overlayer_lowered;
	s7 =	simm.s32 $_tile_overlayer_lowered  }
0xa1: {  	s22 =	simm.s32 $0x1BFF;
	s21 =	sshll.u32 s7, $0x1;
	s4 =	sadd.s32 s5, s19  }
0xa2: {  	s8 =	simm.s32 $0x0;
	s20 =	sshll.u32 s6, $0x1;
	s6 =	sadd.s32 s21, s4  }
0xa3: {  	[timem:s8], [sflag:s22] =	dma.local [hbm:s6], s20  }
0xa4: {  	_ =	swait.ge [sflag:s22], s20  }
0xa5: {  	s5 =	ssub.s32 $0x0, s20;
	[sflag:s22] =	ssyncset.done $0x0  }
0xa6: {  	[sflag:s22] =	ssyncadd.s32 s5;
	_ =	sdelay $0x1  }
0xa7: {  	s23 =	simm.s32 $0x1B8B  }
0xa8: {  	_ =	swait.ge [sflag:s23], $0x1  }
0xa9: {  	[sflag:s23] =	ssyncset.done $0x0  }
0xaa: {  	s25 =	simm.s32 $0x1B8E;
	s24 =	sld [smem:$0x3FFE];
	[sflag:s23] =	ssyncadd.s32 $0xFFFFFFFF  }
0xab: {  	s26 =	simm.s32 $execute0_lowered;
	[smem:$0x3FD2] =	sst s25  }
0xac: {  	s6 =	sshll.u32 s26, $0x1;
	_ =	strace $0x80000046;
	[dreg:$0x1] =	wrdreg $0xFFFFFFFF  }
0xad: {  	s28 =	simm.s32 $_size_execute0_lowered;
	s4 =	sadd.s32 s4, s6;
	[dreg:$0x0] =	wrdreg $0x0  }
0xae: {  	s6 =	sshll.u32 s28, $0x1;
	[dreg:$0x2] =	wrdreg s4  }
0xaf: {  	[dreg:$0x3] =	wrdreg s6  }
0xb0: {  	[dreg:$0x4] =	wrdreg $0xC0  }
0xb1: {  	_ =	task [dreg:s8], $0x5FFFF  }
0xb2: {  	[dreg:$0x1] =	wrdreg $0xFFFFFFFF  }
0xb3: {  	[dreg:$0x0] =	wrdreg $0x60  }
0xb4: {  	[dreg:$0x2] =	wrdreg s16  }
0xb5: {  	[dreg:$0x3] =	wrdreg s24  }
0xb6: {  	[dreg:$0x4] =	wrdreg s17  }
0xb7: {  	[dreg:$0x5] =	wrdreg $0x9  }
0xb8: {  	_ =	task.clear_ibuf [dreg:s8], $0x6FFFF;
	_ =	strace $0x90000046  }
0xb9: {  	s29 =	simm.s32 $0x9;
	_ =	strace $0x80000048  }
0xba: {  	_ =	swait.ge [sflag:s29], $0x1  }
0xbb: {  	[sflag:s29] =	ssyncadd.s32 $0xFFFFFFFF  }
0xbc: {  	_ =	strace $0x90000048  }
0xbd: {  	_ =	sfence  }
0xbe: {  	s30 =	sld [smem:$0x0];
	_ =	sdelay $0x2  }
0xbf: {  	s31 =	sshll.u32 s1, $0xD;
	s1 =	sshrl.u32 s1, $0x2  }
0xc0: {  	s3 =	sand.u32 $0x4000, s31;
	s1 =	sadd.s32 s1, s30  }
0xc1: {  	s0 =	sor.u32 s3, s0;
	s1 =	sshll.u32 s1, $0x11  }
0xc2: {  	s0 =	sor.u32 s1, s0  }
0xc3: {  	s0 =	sadd.s32 $0x8F2B, s0  }
0xc4: {  	[sflag:s0] =	ssyncadd.remote.s32 $0x1  }
0xc5: {  	_ =	sfence.sel $0xFFFF  }
0xc6: {  	[dreg:$0x0] =	wrdreg $0xFFFFFFFF;
	(pc) =	sbr.abs _section_cstart, $3  }
0xc7: {  	[dreg:$0x1] =	wrdreg $0xFFFFFFFF  }
0xc8: {  	_ =	task.clear_ibuf [dreg:s8], $0x2FFFF;
	_ =	strace $0x9FFFFFFF  }
0xc9: {  	(tm) =	ssettm $0x7FFFFFFF  }
tec
execute0_lowered:
.L_overlay_start_1:
0x0: {  	(tag) =	ssettag $0x1  }
0x1: {  	s1 =	rddreg [dreg:$0x0]  }
0x2: {  	s2 =	srdreg.scid;
	s5 =	rddreg [dreg:$0x1]  }
0x3: {  	s0 =	stileid.u32;
	s7 =	rddreg [dreg:$0x2];
	s12 =	simm.s32 $0x100  }
0x4: {  	s13 =	simm.s32 $0x1100;
	s14 =	simm.s32 $0x1;
	s15 =	simm.s32 $0x2  }
0x5: {  	s16 =	simm.s32 $0x0;
	s4 =	sand.u32 $0x1, s2;
	s6 =	smul.u32 $0x186, s0  }
0x6: {  	s3 =	sshll.u32 s0, $0x1;
	s2 =	rddreg [dreg:$0x3];
	p0 =	slt.u32 s0, $0x5  }
0x7: {  	s8 =	smul.u32 $0xC3, s4;
	s9 =	sor.u32 s4, s3;
	s3 =	simm.s32 $0x0  }
0x8: {  	s30 =	ssub.s32 $0x2, s4;
	s4 =	simm.s32 $0xC4;
	s9 =	smin.u32 s9, $0xA  }
0x9: {  	[smem:$0x7FF] =	sst s3;
	s10 =	sshrl.u32 s30, $0x1;
	s6 =	sadd.s32 s8, s6  }
0xa: {  	s4 =	simm.s32 @!p0 $0xC3;
	_ =	strace $0x80000047;
	s6 =	sadd.s32 s9, s6  }
0xb: {  	s31 =	ssub.s32 s30, s10;
	s28 =	sshll.u32 s6, $0x4;
	s6 =	sshll.u32 s6, $0x9  }
0xc: {  	s10 =	simm.s32 $0x3;
	s29 =	sadd.s32 s28, s5;
	s11 =	sadd.s32 s6, s5  }
0xd: {  	s5 =	smax.u32 s31, $0x1;
	s6 =	sadd.s32 s6, s7;
	s7 =	sadd.s32 $0xF8400, s11  }
0xe: {  	s8 =	sadd.s32 $0x1C600, s29;
	s9 =	sadd.s32 $0x3E00, s29;
	s11 =	simm.s32 $0x80  }
.LBB2_1:
0xf: {  	[tilespmem:s3], [sflag:$0x3] =	stream.linear.gather [hbm4b:s8+s3], $0x80, $0x38;
	[tilespmem:$0x2100] =	vst v63  }
0x10: {  	_ =	swait.ge [sflag:s10], $0x80  }
0x11: {  	[sflag:s10] =	ssyncset.done $0x0  }
0x12: {  	[sflag:s10] =	ssyncadd.s32 $0xFFFFFF80  }
0x13: {  	[tilespmem:s11], [sflag:$0x3] =	stream.linear.gather [hbm4b:s9+s3], $0x80, $0x38;
	[tilespmem:$0x2100] =	vst v63  }
0x14: {  	_ =	swait.ge [sflag:s10], $0x80  }
0x15: {  	[sflag:s10] =	ssyncset.done $0x0  }
0x16: {  	[sflag:s10] =	ssyncadd.s32 $0xFFFFFF80  }
0x17: {  	[tilespmem:s12], [sflag:$0x1] =	stream.indirect.gather [hbm4b:s1+s11], $0x20, s3, s11, $0xb8;
	[tilespmem:$0x2100] =	vst v63  }
0x18: {  	_ = 	snop  }
0x19: {  	[tilespmem:s13], [sflag:$0x2] =	stream.indirect.gather [hbm4b:s1+s11], $0x20, s11, s11, $0xb8;
	[tilespmem:$0x2100] =	vst v63  }
0x1a: {  	_ =	swait.ge [sflag:s14], $0x1000  }
0x1b: {  	[sflag:s14] =	ssyncset.done $0x0  }
0x1c: {  	[sflag:s14] =	ssyncadd.s32 $0xFFFFF000  }
0x1d: {  	_ =	swait.ge [sflag:s15], $0x1000  }
0x1e: {  	[sflag:s15] =	ssyncset.done $0x0  }
0x1f: {  	[sflag:s15] =	ssyncadd.s32 $0xFFFFF000  }
0x20: {  	[hbm4b:s6+s3] =	stream.linear.scatter [tilespmem:s12], [sflag:$0x3], $0x1000, $0x38;
	[tilespmem:$0x2100] =	vst v63  }
0x21: {  	p0 =	sne.s32 s4, $0x1;
	_ =	swait.ge [sflag:s10], $0x1000  }
.Ltmp0:
0x22: {  	[sflag:s10] =	ssyncset.done $0x0;
	(pc) =	sbr.rel @!p0 .LBB2_3-.Ltmp0, $4  }
0x23: {  	s17 =	sadd.s32 $0xFFFFFFFF, s4;
	[sflag:s10] =	ssyncadd.s32 $0xFFFFF000  }
0x24: {  	[hbm4b:s7+s3] =	stream.linear.scatter [tilespmem:s13], [sflag:$0x3], $0x1000, $0x38;
	[tilespmem:$0x2100] =	vst v63  }
0x25: {  	s18 =	sadd.s32 $0x10, s8;
	s19 =	sadd.s32 $0x10, s9;
	_ =	swait.ge [sflag:s10], $0x1000  }
0x26: {  	s20 =	smov.u32 s6;
	s21 =	smov.u32 s7;
	[sflag:s10] =	ssyncset.done $0x0  }
.LBB2_2:
0x27: {  	[sflag:s10] =	ssyncadd.s32 $0xFFFFF000;
	s20 =	sadd.s32 $0x200, s20;
	s21 =	sadd.s32 $0x200, s21  }
0x28: {  	[tilespmem:s3], [sflag:$0x3] =	stream.linear.gather [hbm4b:s18+s3], $0x80, $0x38;
	[tilespmem:$0x2100] =	vst v63  }
0x29: {  	p0 =	sne.s32 s17, $0x1;
	s17 =	sadd.s32 $0xFFFFFFFF, s17;
	_ =	swait.ge [sflag:s10], $0x80  }
0x2a: {  	[sflag:s10] =	ssyncset.done $0x0  }
0x2b: {  	[sflag:s10] =	ssyncadd.s32 $0xFFFFFF80  }
0x2c: {  	[tilespmem:s11], [sflag:$0x3] =	stream.linear.gather [hbm4b:s19+s3], $0x80, $0x38;
	[tilespmem:$0x2100] =	vst v63  }
0x2d: {  	_ =	swait.ge [sflag:s10], $0x80  }
0x2e: {  	[sflag:s10] =	ssyncset.done $0x0  }
0x2f: {  	[sflag:s10] =	ssyncadd.s32 $0xFFFFFF80  }
0x30: {  	[tilespmem:s12], [sflag:$0x1] =	stream.indirect.gather [hbm4b:s1+s11], $0x20, s3, s11, $0xb8;
	[tilespmem:$0x2100] =	vst v63  }
0x31: {  	_ = 	snop  }
0x32: {  	[tilespmem:s13], [sflag:$0x2] =	stream.indirect.gather [hbm4b:s1+s11], $0x20, s11, s11, $0xb8;
	[tilespmem:$0x2100] =	vst v63  }
0x33: {  	_ =	swait.ge [sflag:s14], $0x1000  }
0x34: {  	[sflag:s14] =	ssyncset.done $0x0  }
0x35: {  	[sflag:s14] =	ssyncadd.s32 $0xFFFFF000  }
0x36: {  	_ =	swait.ge [sflag:s15], $0x1000  }
0x37: {  	[sflag:s15] =	ssyncset.done $0x0  }
0x38: {  	[sflag:s15] =	ssyncadd.s32 $0xFFFFF000  }
0x39: {  	[hbm4b:s20+s3] =	stream.linear.scatter [tilespmem:s12], [sflag:$0x3], $0x1000, $0x38;
	[tilespmem:$0x2100] =	vst v63  }
0x3a: {  	_ =	swait.ge [sflag:s10], $0x1000  }
.Ltmp1:
0x3b: {  	[sflag:s10] =	ssyncset.done $0x0;
	(pc) =	sbr.rel @p0 .LBB2_2-.Ltmp1, $4  }
0x3c: {  	[sflag:s10] =	ssyncadd.s32 $0xFFFFF000  }
0x3d: {  	[hbm4b:s21+s3] =	stream.linear.scatter [tilespmem:s13], [sflag:$0x3], $0x1000, $0x38;
	[tilespmem:$0x2100] =	vst v63  }
0x3e: {  	_ =	swait.ge [sflag:s10], $0x1000  }
0x3f: {  	s18 =	sadd.s32 $0x10, s18;
	s19 =	sadd.s32 $0x10, s19;
	[sflag:s10] =	ssyncset.done $0x0  }
.LBB2_3:
0x40: {  	s16 =	sadd.s32 $0x1, s16  }
0x41: {  	p0 =	sne.s32 s16, s5  }
.Ltmp2:
0x42: {  	_ = 	snop;
	(pc) =	sbr.rel @p0 .LBB2_1-.Ltmp2, $2  }
0x43: {  	_ =	sdelay $0x2  }
0x44: {  	[sflag:s10] =	ssyncadd.s32 $0xFFFFF000  }
0x45: {  	_ =	sfence.sel $0x180000  }
0x46: {  	[bflag:$0x0] =	sbarrier.arrive $0xFFFF  }
0x47: {  	p0 =	sne.s32 s0, $0x0;
	_ =	strace $0x90000047  }
0x48: {  	s0 =	sadd.s32 @!p0 $0x100000, s2;
	[bflag:$0x2] =	sbarrier.arrive $0xFFFF  }
0x49: {  	[sflag:s0] =	ssyncadd.tile.s32 @!p0 $0x1;
	_ =	shalt  }
.Lfunc_end2:
_tile_overlayer_lowered:
.L_overlay_start_2:
0x4a: {  	(tag) =	ssettag $0x2  }
0x4b: {  	s0 =	rddreg [dreg:$0x0];
	s2 =	stileid.u32  }
0x4c: {  	s1 =	rddreg [dreg:$0x1];
	p0 =	sne.s32 s2, $0x0  }
0x4d: {  	s3 =	rddreg [dreg:$0x2];
	[bflag:$0x3] =	sbarrier.arrive $0xFFFF;
	s2 =	simm.s32 @!p0 $0x1C03  }
0x4e: {  	[timem:s3], [sflag:s2] =	dma.local @!p0 [hbm:s0], s1  }
0x4f: {  	s0 =	simm.s32 @!p0 $0x3  }
0x50: {  	_ =	swait.ge @!p0 [sflag:s0], s1  }
0x51: {  	s1 =	ssub.s32 @!p0 $0x0, s1;
	[sflag:s0] =	ssyncset.done @!p0 $0x0  }
0x52: {  	[sflag:s0] =	ssyncadd.s32 @!p0 s1  }
0x53: {  	[bflag:$0x3] =	sbarrier.arrive $0xFFFF  }
0x54: {  	_ =	shalt  }

</sc_bundles>
